<compile_context>
chip_gen: v7x
topology: tpu7x:2x2x1
jax: 0.10.2.dev20260603
libtpu: 0.0.44.dev20260713+nightly
codegen_flags: <defaults>
</compile_context>

<pallas_src>
import jax
import jax.numpy as jnp
from jax import lax
from jax.experimental import pallas as pl
from jax.experimental.pallas import tpu as pltpu
from jax.experimental.pallas import tpu_sc as plsc

_INFO = plsc.get_sparse_core_info()
_NS = _INFO.num_subcores
_NW = _NS

_R = 4
_C = 8192
_CT = _C // 128
_CT_PER_W = _CT // _NW


def _gather_body(x_hbm, router_hbm, out_hbm, idx_v, vals_v,
                 ssems, gsems, osem):
    wid = lax.axis_index("s")

    stages = []
    for t in range(_CT_PER_W):
        col = (wid * _CT_PER_W + t) * 128
        stages.append(
            pltpu.async_copy(x_hbm.at[pl.ds(0, _R), pl.ds(col, 128)],
                             idx_v.at[pl.ds(t * _R, _R), :], ssems.at[t])
        )

    gathers = [[] for _ in range(_CT_PER_W)]
    for t in range(_CT_PER_W):
        stages[t].wait()
        for r in range(_R):
            j = t * _R + r
            gathers[t].append(
                pltpu.async_copy(router_hbm.at[idx_v.at[j]], vals_v.at[j],
                                 gsems.at[t])
            )

    stores = []
    for t in range(_CT_PER_W):
        for c in gathers[t]:
            c.wait()
        col = (wid * _CT_PER_W + t) * 128
        stores.append(
            pltpu.async_copy(vals_v.at[pl.ds(t * _R, _R), :],
                             out_hbm.at[pl.ds(0, _R), pl.ds(col, 128)], osem)
        )
    for c in stores:
        c.wait()


@jax.jit
def _router_gather(x, router):
    mesh = plsc.VectorSubcoreMesh(core_axis_name="c", subcore_axis_name="s",
                                  num_cores=1)
    return pl.kernel(
        _gather_body,
        out_type=jax.ShapeDtypeStruct((_R, _C), jnp.int32),
        mesh=mesh,
        scratch_types=[
            pltpu.VMEM((_CT_PER_W * _R, 128), jnp.int32),
            pltpu.VMEM((_CT_PER_W * _R, 128), jnp.int32),
            pltpu.SemaphoreType.DMA((_CT_PER_W,)),
            pltpu.SemaphoreType.DMA((_CT_PER_W,)),
            pltpu.SemaphoreType.DMA,
        ],
        compiler_params=pltpu.CompilerParams(use_tc_tiling_on_sc=True),
    )(x, router)


def kernel(x, router):
    return _router_gather(x, router)

# --- scband reference (transcript-rebuilt; emitter-appended) ---
"""Pipeline reference for scband-cluster-router-86088324481284 (READ-ONLY COPY).

The authoritative reference and input builder live on the scoring server;
editing this copy changes nothing except your own understanding.
"""

import jax, jax.numpy as jnp
import numpy as np

VOCAB_SIZE = 100000
N_EXPERTS = 64


def _build_router(vocab_size, n_experts):
    # The original module loads cluster assignments from a pickle file and
    # falls back to (i % n_experts) for ids absent from the dict. Since the
    # pickle is unavailable, we faithfully reproduce the fallback path for
    # every id: router[i] = i % n_experts (an arbitrary static int lookup
    # table; the forward is a pure gather regardless of table contents).
    return (jnp.arange(vocab_size, dtype=jnp.int32) % n_experts).astype(jnp.int32)


def setup_inputs(seed: int = 0) -> dict:
    key = jax.random.key(seed)
    x = jax.random.randint(key, (4, 8192), 0, VOCAB_SIZE, dtype=jnp.int32)
    router = _build_router(VOCAB_SIZE, N_EXPERTS)
    return {"x": x, "router": router}


def reference(x, router):
    # forward: return self.router[x]  -> pure embedding-style int gather
    return jnp.take(router, x, axis=0)

if __name__ == "__main__":
    import jax
    _d = setup_inputs()
    print(jax.jit(kernel)(*tuple(_d.values())))

</pallas_src>

<mosaic_0001>
#map = affine_map<(d0, d1) -> (0, 0)>
#map1 = affine_map<(d0, d1) -> (0)>
module attributes {stable_mosaic.version = 14 : i64} {
  func.func @_gather_body(%arg0: i32, %arg1: i32, %arg2: memref<4x8192xi32, #tpu.memory_space<hbm>>, %arg3: memref<100000xi32, #tpu.memory_space<hbm>>, %arg4: memref<4x8192xi32, #tpu.memory_space<hbm>>, %arg5: memref<16x128xi32, #tpu.memory_space<vmem>>, %arg6: memref<16x128xi32, #tpu.memory_space<vmem>>, %arg7: memref<4x!tpu.dma_semaphore, #tpu.memory_space<semaphore_mem>>, %arg8: memref<4x!tpu.dma_semaphore, #tpu.memory_space<semaphore_mem>>, %arg9: memref<!tpu.dma_semaphore, #tpu.memory_space<semaphore_mem>>) attributes {dimension_semantics = [#tpu.dimension_semantics<core_parallel>, #tpu.dimension_semantics<subcore_parallel>], iteration_bounds = array<i64: 1, 16>, scalar_prefetch = 0 : i64, scratch_operands = 5 : i64, tpu.core_type = #tpu.core_type<sc_vector_subcore>, window_params = [{transform_indices = #map}, {transform_indices = #map1}, {transform_indices = #map}]} {
    %mul3A = arith.constant 4 : i32
    %mul3A_0 = arith.muli %arg1, %mul3A : i32
    %add3A = arith.constant 0 : i32
    %add3A_1 = arith.addi %mul3A_0, %add3A : i32
    %mul3A_2 = arith.constant 128 : i32
    %mul3A_3 = arith.muli %add3A_1, %mul3A_2 : i32
    %dma_start3A = arith.constant 0 : i32
    %dma_start3A_4 = arith.constant 0 : i32
    %dma_start3A_5 = arith.constant 0 : i32
    %dma_start3A_6 = tpu.memref_slice %arg5[%dma_start3A_4, %dma_start3A_5] : memref<16x128xi32, #tpu.memory_space<vmem>> -> memref<4x128xi32, #tpu.memory_space<vmem>>
    %dma_start3A_7 = arith.constant 0 : i32
    %dma_start3A_8 = tpu.memref_slice %arg2[%dma_start3A_7, %mul3A_3] : memref<4x8192xi32, #tpu.memory_space<hbm>> -> memref<4x128xi32, #tpu.memory_space<hbm>>
    %dma_start3A_9 = tpu.memref_slice %arg7[%dma_start3A] : memref<4x!tpu.dma_semaphore, #tpu.memory_space<semaphore_mem>> -> memref<1x!tpu.dma_semaphore, #tpu.memory_space<semaphore_mem>>
    %dma_start3A_10 = tpu.memref_squeeze %dma_start3A_9 : memref<1x!tpu.dma_semaphore, #tpu.memory_space<semaphore_mem>> -> memref<!tpu.dma_semaphore, #tpu.memory_space<semaphore_mem>>
    %dma_start3A_11 = arith.constant 0 : i32
    %dma_start3A_12 = arith.constant 0 : i32
    %dma_start3A_13 = tpu.memref_slice %arg5[%dma_start3A_11, %dma_start3A_12] : memref<16x128xi32, #tpu.memory_space<vmem>> -> memref<4x128xi32, #tpu.memory_space<vmem>>
    %dma_start3A_14 = arith.constant 0 : i32
    %dma_start3A_15 = tpu.memref_slice %arg2[%dma_start3A_14, %mul3A_3] : memref<4x8192xi32, #tpu.memory_space<hbm>> -> memref<4x128xi32, #tpu.memory_space<hbm>>
    tpu.enqueue_dma source(%dma_start3A_15 : memref<4x128xi32, #tpu.memory_space<hbm>>) target(%dma_start3A_13 : memref<4x128xi32, #tpu.memory_space<vmem>>) target_semaphore(%dma_start3A_10 : memref<!tpu.dma_semaphore, #tpu.memory_space<semaphore_mem>>)
    %mul3A_16 = arith.constant 4 : i32
    %mul3A_17 = arith.muli %arg1, %mul3A_16 : i32
    %add3A_18 = arith.constant 1 : i32
    %add3A_19 = arith.addi %mul3A_17, %add3A_18 : i32
    %mul3A_20 = arith.constant 128 : i32
    %mul3A_21 = arith.muli %add3A_19, %mul3A_20 : i32
    %dma_start3A_22 = arith.constant 1 : i32
    %dma_start3A_23 = arith.constant 4 : i32
    %dma_start3A_24 = arith.constant 0 : i32
    %dma_start3A_25 = tpu.memref_slice %arg5[%dma_start3A_23, %dma_start3A_24] : memref<16x128xi32, #tpu.memory_space<vmem>> -> memref<4x128xi32, #tpu.memory_space<vmem>>
    %dma_start3A_26 = arith.constant 0 : i32
    %dma_start3A_27 = tpu.memref_slice %arg2[%dma_start3A_26, %mul3A_21] : memref<4x8192xi32, #tpu.memory_space<hbm>> -> memref<4x128xi32, #tpu.memory_space<hbm>>
    %dma_start3A_28 = tpu.memref_slice %arg7[%dma_start3A_22] : memref<4x!tpu.dma_semaphore, #tpu.memory_space<semaphore_mem>> -> memref<1x!tpu.dma_semaphore, #tpu.memory_space<semaphore_mem>>
    %dma_start3A_29 = tpu.memref_squeeze %dma_start3A_28 : memref<1x!tpu.dma_semaphore, #tpu.memory_space<semaphore_mem>> -> memref<!tpu.dma_semaphore, #tpu.memory_space<semaphore_mem>>
    %dma_start3A_30 = arith.constant 4 : i32
    %dma_start3A_31 = arith.constant 0 : i32
    %dma_start3A_32 = tpu.memref_slice %arg5[%dma_start3A_30, %dma_start3A_31] : memref<16x128xi32, #tpu.memory_space<vmem>> -> memref<4x128xi32, #tpu.memory_space<vmem>>
    %dma_start3A_33 = arith.constant 0 : i32
    %dma_start3A_34 = tpu.memref_slice %arg2[%dma_start3A_33, %mul3A_21] : memref<4x8192xi32, #tpu.memory_space<hbm>> -> memref<4x128xi32, #tpu.memory_space<hbm>>
    tpu.enqueue_dma source(%dma_start3A_34 : memref<4x128xi32, #tpu.memory_space<hbm>>) target(%dma_start3A_32 : memref<4x128xi32, #tpu.memory_space<vmem>>) target_semaphore(%dma_start3A_29 : memref<!tpu.dma_semaphore, #tpu.memory_space<semaphore_mem>>)
    %mul3A_35 = arith.constant 4 : i32
    %mul3A_36 = arith.muli %arg1, %mul3A_35 : i32
    %add3A_37 = arith.constant 2 : i32
    %add3A_38 = arith.addi %mul3A_36, %add3A_37 : i32
    %mul3A_39 = arith.constant 128 : i32
    %mul3A_40 = arith.muli %add3A_38, %mul3A_39 : i32
    %dma_start3A_41 = arith.constant 2 : i32
    %dma_start3A_42 = arith.constant 8 : i32
    %dma_start3A_43 = arith.constant 0 : i32
    %dma_start3A_44 = tpu.memref_slice %arg5[%dma_start3A_42, %dma_start3A_43] : memref<16x128xi32, #tpu.memory_space<vmem>> -> memref<4x128xi32, #tpu.memory_space<vmem>>
    %dma_start3A_45 = arith.constant 0 : i32
    %dma_start3A_46 = tpu.memref_slice %arg2[%dma_start3A_45, %mul3A_40] : memref<4x8192xi32, #tpu.memory_space<hbm>> -> memref<4x128xi32, #tpu.memory_space<hbm>>
    %dma_start3A_47 = tpu.memref_slice %arg7[%dma_start3A_41] : memref<4x!tpu.dma_semaphore, #tpu.memory_space<semaphore_mem>> -> memref<1x!tpu.dma_semaphore, #tpu.memory_space<semaphore_mem>>
    %dma_start3A_48 = tpu.memref_squeeze %dma_start3A_47 : memref<1x!tpu.dma_semaphore, #tpu.memory_space<semaphore_mem>> -> memref<!tpu.dma_semaphore, #tpu.memory_space<semaphore_mem>>
    %dma_start3A_49 = arith.constant 8 : i32
    %dma_start3A_50 = arith.constant 0 : i32
    %dma_start3A_51 = tpu.memref_slice %arg5[%dma_start3A_49, %dma_start3A_50] : memref<16x128xi32, #tpu.memory_space<vmem>> -> memref<4x128xi32, #tpu.memory_space<vmem>>
    %dma_start3A_52 = arith.constant 0 : i32
    %dma_start3A_53 = tpu.memref_slice %arg2[%dma_start3A_52, %mul3A_40] : memref<4x8192xi32, #tpu.memory_space<hbm>> -> memref<4x128xi32, #tpu.memory_space<hbm>>
    tpu.enqueue_dma source(%dma_start3A_53 : memref<4x128xi32, #tpu.memory_space<hbm>>) target(%dma_start3A_51 : memref<4x128xi32, #tpu.memory_space<vmem>>) target_semaphore(%dma_start3A_48 : memref<!tpu.dma_semaphore, #tpu.memory_space<semaphore_mem>>)
    %mul3A_54 = arith.constant 4 : i32
    %mul3A_55 = arith.muli %arg1, %mul3A_54 : i32
    %add3A_56 = arith.constant 3 : i32
    %add3A_57 = arith.addi %mul3A_55, %add3A_56 : i32
    %mul3A_58 = arith.constant 128 : i32
    %mul3A_59 = arith.muli %add3A_57, %mul3A_58 : i32
    %dma_start3A_60 = arith.constant 3 : i32
    %dma_start3A_61 = arith.constant 12 : i32
    %dma_start3A_62 = arith.constant 0 : i32
    %dma_start3A_63 = tpu.memref_slice %arg5[%dma_start3A_61, %dma_start3A_62] : memref<16x128xi32, #tpu.memory_space<vmem>> -> memref<4x128xi32, #tpu.memory_space<vmem>>
    %dma_start3A_64 = arith.constant 0 : i32
    %dma_start3A_65 = tpu.memref_slice %arg2[%dma_start3A_64, %mul3A_59] : memref<4x8192xi32, #tpu.memory_space<hbm>> -> memref<4x128xi32, #tpu.memory_space<hbm>>
    %dma_start3A_66 = tpu.memref_slice %arg7[%dma_start3A_60] : memref<4x!tpu.dma_semaphore, #tpu.memory_space<semaphore_mem>> -> memref<1x!tpu.dma_semaphore, #tpu.memory_space<semaphore_mem>>
    %dma_start3A_67 = tpu.memref_squeeze %dma_start3A_66 : memref<1x!tpu.dma_semaphore, #tpu.memory_space<semaphore_mem>> -> memref<!tpu.dma_semaphore, #tpu.memory_space<semaphore_mem>>
    %dma_start3A_68 = arith.constant 12 : i32
    %dma_start3A_69 = arith.constant 0 : i32
    %dma_start3A_70 = tpu.memref_slice %arg5[%dma_start3A_68, %dma_start3A_69] : memref<16x128xi32, #tpu.memory_space<vmem>> -> memref<4x128xi32, #tpu.memory_space<vmem>>
    %dma_start3A_71 = arith.constant 0 : i32
    %dma_start3A_72 = tpu.memref_slice %arg2[%dma_start3A_71, %mul3A_59] : memref<4x8192xi32, #tpu.memory_space<hbm>> -> memref<4x128xi32, #tpu.memory_space<hbm>>
    tpu.enqueue_dma source(%dma_start3A_72 : memref<4x128xi32, #tpu.memory_space<hbm>>) target(%dma_start3A_70 : memref<4x128xi32, #tpu.memory_space<vmem>>) target_semaphore(%dma_start3A_67 : memref<!tpu.dma_semaphore, #tpu.memory_space<semaphore_mem>>)
    %dma_wait3A = arith.constant 0 : i32
    %dma_wait3A_73 = arith.constant 0 : i32
    %dma_wait3A_74 = arith.constant 0 : i32
    %dma_wait3A_75 = tpu.memref_slice %arg5[%dma_wait3A_73, %dma_wait3A_74] : memref<16x128xi32, #tpu.memory_space<vmem>> -> memref<4x128xi32, #tpu.memory_space<vmem>>
    %dma_wait3A_76 = arith.constant 0 : i32
    %dma_wait3A_77 = tpu.memref_slice %arg2[%dma_wait3A_76, %mul3A_3] : memref<4x8192xi32, #tpu.memory_space<hbm>> -> memref<4x128xi32, #tpu.memory_space<hbm>>
    %dma_wait3A_78 = tpu.memref_slice %arg7[%dma_wait3A] : memref<4x!tpu.dma_semaphore, #tpu.memory_space<semaphore_mem>> -> memref<1x!tpu.dma_semaphore, #tpu.memory_space<semaphore_mem>>
    %dma_wait3A_79 = tpu.memref_squeeze %dma_wait3A_78 : memref<1x!tpu.dma_semaphore, #tpu.memory_space<semaphore_mem>> -> memref<!tpu.dma_semaphore, #tpu.memory_space<semaphore_mem>>
    %dma_wait3A_80 = arith.constant 0 : i32
    %dma_wait3A_81 = arith.constant 0 : i32
    %dma_wait3A_82 = tpu.memref_slice %arg5[%dma_wait3A_80, %dma_wait3A_81] : memref<16x128xi32, #tpu.memory_space<vmem>> -> memref<4x128xi32, #tpu.memory_space<vmem>>
    %dma_wait3A_83 = arith.constant 0 : i32
    %dma_wait3A_84 = tpu.memref_slice %arg2[%dma_wait3A_83, %mul3A_3] : memref<4x8192xi32, #tpu.memory_space<hbm>> -> memref<4x128xi32, #tpu.memory_space<hbm>>
    tpu.wait_dma2 semaphore(%dma_wait3A_79 : memref<!tpu.dma_semaphore, #tpu.memory_space<semaphore_mem>>) src(%dma_wait3A_84 : memref<4x128xi32, #tpu.memory_space<hbm>>) dst(%dma_wait3A_82 : memref<4x128xi32, #tpu.memory_space<vmem>>)
    %dma_start3A_85 = arith.constant 0 : i32
    %dma_start3A_86 = arith.constant 0 : i32
    %dma_start3A_87 = arith.constant 0 : i32
    %dma_start3A_88 = arith.constant 0 : i32
    %dma_start3A_89 = tpu.memref_slice %arg6[%dma_start3A_86, %dma_start3A_88] : memref<16x128xi32, #tpu.memory_space<vmem>> -> memref<1x128xi32, #tpu.memory_space<vmem>>
    %dma_start3A_90 = tpu.memref_squeeze %dma_start3A_89 : memref<1x128xi32, #tpu.memory_space<vmem>> -> memref<128xi32, #tpu.memory_space<vmem>>
    %dma_start3A_91 = arith.constant 0 : i32
    %dma_start3A_92 = tpu.memref_slice %arg5[%dma_start3A_85, %dma_start3A_91] : memref<16x128xi32, #tpu.memory_space<vmem>> -> memref<1x128xi32, #tpu.memory_space<vmem>>
    %dma_start3A_93 = tpu.memref_squeeze %dma_start3A_92 : memref<1x128xi32, #tpu.memory_space<vmem>> -> memref<128xi32, #tpu.memory_space<vmem>>
    %dma_start3A_94 = arith.constant 0 : i32
    %dma_start3A_95 = tpu.memref_slice %arg3[%dma_start3A_94] : memref<100000xi32, #tpu.memory_space<hbm>> -> memref<100000xi32, #tpu.memory_space<hbm>>
    %dma_start3A_96 = tpu.memref_slice %arg8[%dma_start3A_87] : memref<4x!tpu.dma_semaphore, #tpu.memory_space<semaphore_mem>> -> memref<1x!tpu.dma_semaphore, #tpu.memory_space<semaphore_mem>>
    %dma_start3A_97 = tpu.memref_squeeze %dma_start3A_96 : memref<1x!tpu.dma_semaphore, #tpu.memory_space<semaphore_mem>> -> memref<!tpu.dma_semaphore, #tpu.memory_space<semaphore_mem>>
    tpu.enqueue_indirect_dma source(%dma_start3A_95 : memref<100000xi32, #tpu.memory_space<hbm>>) target(%dma_start3A_90 : memref<128xi32, #tpu.memory_space<vmem>>) offsets(%dma_start3A_93 : memref<128xi32, #tpu.memory_space<vmem>>) semaphore(%dma_start3A_97 : memref<!tpu.dma_semaphore, #tpu.memory_space<semaphore_mem>>)
    %dma_start3A_98 = arith.constant 1 : i32
    %dma_start3A_99 = arith.constant 1 : i32
    %dma_start3A_100 = arith.constant 0 : i32
    %dma_start3A_101 = arith.constant 0 : i32
    %dma_start3A_102 = tpu.memref_slice %arg6[%dma_start3A_99, %dma_start3A_101] : memref<16x128xi32, #tpu.memory_space<vmem>> -> memref<1x128xi32, #tpu.memory_space<vmem>>
    %dma_start3A_103 = tpu.memref_squeeze %dma_start3A_102 : memref<1x128xi32, #tpu.memory_space<vmem>> -> memref<128xi32, #tpu.memory_space<vmem>>
    %dma_start3A_104 = arith.constant 0 : i32
    %dma_start3A_105 = tpu.memref_slice %arg5[%dma_start3A_98, %dma_start3A_104] : memref<16x128xi32, #tpu.memory_space<vmem>> -> memref<1x128xi32, #tpu.memory_space<vmem>>
    %dma_start3A_106 = tpu.memref_squeeze %dma_start3A_105 : memref<1x128xi32, #tpu.memory_space<vmem>> -> memref<128xi32, #tpu.memory_space<vmem>>
    %dma_start3A_107 = arith.constant 0 : i32
    %dma_start3A_108 = tpu.memref_slice %arg3[%dma_start3A_107] : memref<100000xi32, #tpu.memory_space<hbm>> -> memref<100000xi32, #tpu.memory_space<hbm>>
    %dma_start3A_109 = tpu.memref_slice %arg8[%dma_start3A_100] : memref<4x!tpu.dma_semaphore, #tpu.memory_space<semaphore_mem>> -> memref<1x!tpu.dma_semaphore, #tpu.memory_space<semaphore_mem>>
    %dma_start3A_110 = tpu.memref_squeeze %dma_start3A_109 : memref<1x!tpu.dma_semaphore, #tpu.memory_space<semaphore_mem>> -> memref<!tpu.dma_semaphore, #tpu.memory_space<semaphore_mem>>
    tpu.enqueue_indirect_dma source(%dma_start3A_108 : memref<100000xi32, #tpu.memory_space<hbm>>) target(%dma_start3A_103 : memref<128xi32, #tpu.memory_space<vmem>>) offsets(%dma_start3A_106 : memref<128xi32, #tpu.memory_space<vmem>>) semaphore(%dma_start3A_110 : memref<!tpu.dma_semaphore, #tpu.memory_space<semaphore_mem>>)
    %dma_start3A_111 = arith.constant 2 : i32
    %dma_start3A_112 = arith.constant 2 : i32
    %dma_start3A_113 = arith.constant 0 : i32
    %dma_start3A_114 = arith.constant 0 : i32
    %dma_start3A_115 = tpu.memref_slice %arg6[%dma_start3A_112, %dma_start3A_114] : memref<16x128xi32, #tpu.memory_space<vmem>> -> memref<1x128xi32, #tpu.memory_space<vmem>>
    %dma_start3A_116 = tpu.memref_squeeze %dma_start3A_115 : memref<1x128xi32, #tpu.memory_space<vmem>> -> memref<128xi32, #tpu.memory_space<vmem>>
    %dma_start3A_117 = arith.constant 0 : i32
    %dma_start3A_118 = tpu.memref_slice %arg5[%dma_start3A_111, %dma_start3A_117] : memref<16x128xi32, #tpu.memory_space<vmem>> -> memref<1x128xi32, #tpu.memory_space<vmem>>
    %dma_start3A_119 = tpu.memref_squeeze %dma_start3A_118 : memref<1x128xi32, #tpu.memory_space<vmem>> -> memref<128xi32, #tpu.memory_space<vmem>>
    %dma_start3A_120 = arith.constant 0 : i32
    %dma_start3A_121 = tpu.memref_slice %arg3[%dma_start3A_120] : memref<100000xi32, #tpu.memory_space<hbm>> -> memref<100000xi32, #tpu.memory_space<hbm>>
    %dma_start3A_122 = tpu.memref_slice %arg8[%dma_start3A_113] : memref<4x!tpu.dma_semaphore, #tpu.memory_space<semaphore_mem>> -> memref<1x!tpu.dma_semaphore, #tpu.memory_space<semaphore_mem>>
    %dma_start3A_123 = tpu.memref_squeeze %dma_start3A_122 : memref<1x!tpu.dma_semaphore, #tpu.memory_space<semaphore_mem>> -> memref<!tpu.dma_semaphore, #tpu.memory_space<semaphore_mem>>
    tpu.enqueue_indirect_dma source(%dma_start3A_121 : memref<100000xi32, #tpu.memory_space<hbm>>) target(%dma_start3A_116 : memref<128xi32, #tpu.memory_space<vmem>>) offsets(%dma_start3A_119 : memref<128xi32, #tpu.memory_space<vmem>>) semaphore(%dma_start3A_123 : memref<!tpu.dma_semaphore, #tpu.memory_space<semaphore_mem>>)
    %dma_start3A_124 = arith.constant 3 : i32
    %dma_start3A_125 = arith.constant 3 : i32
    %dma_start3A_126 = arith.constant 0 : i32
    %dma_start3A_127 = arith.constant 0 : i32
    %dma_start3A_128 = tpu.memref_slice %arg6[%dma_start3A_125, %dma_start3A_127] : memref<16x128xi32, #tpu.memory_space<vmem>> -> memref<1x128xi32, #tpu.memory_space<vmem>>
    %dma_start3A_129 = tpu.memref_squeeze %dma_start3A_128 : memref<1x128xi32, #tpu.memory_space<vmem>> -> memref<128xi32, #tpu.memory_space<vmem>>
    %dma_start3A_130 = arith.constant 0 : i32
    %dma_start3A_131 = tpu.memref_slice %arg5[%dma_start3A_124, %dma_start3A_130] : memref<16x128xi32, #tpu.memory_space<vmem>> -> memref<1x128xi32, #tpu.memory_space<vmem>>
    %dma_start3A_132 = tpu.memref_squeeze %dma_start3A_131 : memref<1x128xi32, #tpu.memory_space<vmem>> -> memref<128xi32, #tpu.memory_space<vmem>>
    %dma_start3A_133 = arith.constant 0 : i32
    %dma_start3A_134 = tpu.memref_slice %arg3[%dma_start3A_133] : memref<100000xi32, #tpu.memory_space<hbm>> -> memref<100000xi32, #tpu.memory_space<hbm>>
    %dma_start3A_135 = tpu.memref_slice %arg8[%dma_start3A_126] : memref<4x!tpu.dma_semaphore, #tpu.memory_space<semaphore_mem>> -> memref<1x!tpu.dma_semaphore, #tpu.memory_space<semaphore_mem>>
    %dma_start3A_136 = tpu.memref_squeeze %dma_start3A_135 : memref<1x!tpu.dma_semaphore, #tpu.memory_space<semaphore_mem>> -> memref<!tpu.dma_semaphore, #tpu.memory_space<semaphore_mem>>
    tpu.enqueue_indirect_dma source(%dma_start3A_134 : memref<100000xi32, #tpu.memory_space<hbm>>) target(%dma_start3A_129 : memref<128xi32, #tpu.memory_space<vmem>>) offsets(%dma_start3A_132 : memref<128xi32, #tpu.memory_space<vmem>>) semaphore(%dma_start3A_136 : memref<!tpu.dma_semaphore, #tpu.memory_space<semaphore_mem>>)
    %dma_wait3A_137 = arith.constant 1 : i32
    %dma_wait3A_138 = arith.constant 4 : i32
    %dma_wait3A_139 = arith.constant 0 : i32
    %dma_wait3A_140 = tpu.memref_slice %arg5[%dma_wait3A_138, %dma_wait3A_139] : memref<16x128xi32, #tpu.memory_space<vmem>> -> memref<4x128xi32, #tpu.memory_space<vmem>>
    %dma_wait3A_141 = arith.constant 0 : i32
    %dma_wait3A_142 = tpu.memref_slice %arg2[%dma_wait3A_141, %mul3A_21] : memref<4x8192xi32, #tpu.memory_space<hbm>> -> memref<4x128xi32, #tpu.memory_space<hbm>>
    %dma_wait3A_143 = tpu.memref_slice %arg7[%dma_wait3A_137] : memref<4x!tpu.dma_semaphore, #tpu.memory_space<semaphore_mem>> -> memref<1x!tpu.dma_semaphore, #tpu.memory_space<semaphore_mem>>
    %dma_wait3A_144 = tpu.memref_squeeze %dma_wait3A_143 : memref<1x!tpu.dma_semaphore, #tpu.memory_space<semaphore_mem>> -> memref<!tpu.dma_semaphore, #tpu.memory_space<semaphore_mem>>
    %dma_wait3A_145 = arith.constant 4 : i32
    %dma_wait3A_146 = arith.constant 0 : i32
    %dma_wait3A_147 = tpu.memref_slice %arg5[%dma_wait3A_145, %dma_wait3A_146] : memref<16x128xi32, #tpu.memory_space<vmem>> -> memref<4x128xi32, #tpu.memory_space<vmem>>
    %dma_wait3A_148 = arith.constant 0 : i32
    %dma_wait3A_149 = tpu.memref_slice %arg2[%dma_wait3A_148, %mul3A_21] : memref<4x8192xi32, #tpu.memory_space<hbm>> -> memref<4x128xi32, #tpu.memory_space<hbm>>
    tpu.wait_dma2 semaphore(%dma_wait3A_144 : memref<!tpu.dma_semaphore, #tpu.memory_space<semaphore_mem>>) src(%dma_wait3A_149 : memref<4x128xi32, #tpu.memory_space<hbm>>) dst(%dma_wait3A_147 : memref<4x128xi32, #tpu.memory_space<vmem>>)
    %dma_start3A_150 = arith.constant 4 : i32
    %dma_start3A_151 = arith.constant 4 : i32
    %dma_start3A_152 = arith.constant 1 : i32
    %dma_start3A_153 = arith.constant 0 : i32
    %dma_start3A_154 = tpu.memref_slice %arg6[%dma_start3A_151, %dma_start3A_153] : memref<16x128xi32, #tpu.memory_space<vmem>> -> memref<1x128xi32, #tpu.memory_space<vmem>>
    %dma_start3A_155 = tpu.memref_squeeze %dma_start3A_154 : memref<1x128xi32, #tpu.memory_space<vmem>> -> memref<128xi32, #tpu.memory_space<vmem>>
    %dma_start3A_156 = arith.constant 0 : i32
    %dma_start3A_157 = tpu.memref_slice %arg5[%dma_start3A_150, %dma_start3A_156] : memref<16x128xi32, #tpu.memory_space<vmem>> -> memref<1x128xi32, #tpu.memory_space<vmem>>
    %dma_start3A_158 = tpu.memref_squeeze %dma_start3A_157 : memref<1x128xi32, #tpu.memory_space<vmem>> -> memref<128xi32, #tpu.memory_space<vmem>>
    %dma_start3A_159 = arith.constant 0 : i32
    %dma_start3A_160 = tpu.memref_slice %arg3[%dma_start3A_159] : memref<100000xi32, #tpu.memory_space<hbm>> -> memref<100000xi32, #tpu.memory_space<hbm>>
    %dma_start3A_161 = tpu.memref_slice %arg8[%dma_start3A_152] : memref<4x!tpu.dma_semaphore, #tpu.memory_space<semaphore_mem>> -> memref<1x!tpu.dma_semaphore, #tpu.memory_space<semaphore_mem>>
    %dma_start3A_162 = tpu.memref_squeeze %dma_start3A_161 : memref<1x!tpu.dma_semaphore, #tpu.memory_space<semaphore_mem>> -> memref<!tpu.dma_semaphore, #tpu.memory_space<semaphore_mem>>
    tpu.enqueue_indirect_dma source(%dma_start3A_160 : memref<100000xi32, #tpu.memory_space<hbm>>) target(%dma_start3A_155 : memref<128xi32, #tpu.memory_space<vmem>>) offsets(%dma_start3A_158 : memref<128xi32, #tpu.memory_space<vmem>>) semaphore(%dma_start3A_162 : memref<!tpu.dma_semaphore, #tpu.memory_space<semaphore_mem>>)
    %dma_start3A_163 = arith.constant 5 : i32
    %dma_start3A_164 = arith.constant 5 : i32
    %dma_start3A_165 = arith.constant 1 : i32
    %dma_start3A_166 = arith.constant 0 : i32
    %dma_start3A_167 = tpu.memref_slice %arg6[%dma_start3A_164, %dma_start3A_166] : memref<16x128xi32, #tpu.memory_space<vmem>> -> memref<1x128xi32, #tpu.memory_space<vmem>>
    %dma_start3A_168 = tpu.memref_squeeze %dma_start3A_167 : memref<1x128xi32, #tpu.memory_space<vmem>> -> memref<128xi32, #tpu.memory_space<vmem>>
    %dma_start3A_169 = arith.constant 0 : i32
    %dma_start3A_170 = tpu.memref_slice %arg5[%dma_start3A_163, %dma_start3A_169] : memref<16x128xi32, #tpu.memory_space<vmem>> -> memref<1x128xi32, #tpu.memory_space<vmem>>
    %dma_start3A_171 = tpu.memref_squeeze %dma_start3A_170 : memref<1x128xi32, #tpu.memory_space<vmem>> -> memref<128xi32, #tpu.memory_space<vmem>>
    %dma_start3A_172 = arith.constant 0 : i32
    %dma_start3A_173 = tpu.memref_slice %arg3[%dma_start3A_172] : memref<100000xi32, #tpu.memory_space<hbm>> -> memref<100000xi32, #tpu.memory_space<hbm>>
    %dma_start3A_174 = tpu.memref_slice %arg8[%dma_start3A_165] : memref<4x!tpu.dma_semaphore, #tpu.memory_space<semaphore_mem>> -> memref<1x!tpu.dma_semaphore, #tpu.memory_space<semaphore_mem>>
    %dma_start3A_175 = tpu.memref_squeeze %dma_start3A_174 : memref<1x!tpu.dma_semaphore, #tpu.memory_space<semaphore_mem>> -> memref<!tpu.dma_semaphore, #tpu.memory_space<semaphore_mem>>
    tpu.enqueue_indirect_dma source(%dma_start3A_173 : memref<100000xi32, #tpu.memory_space<hbm>>) target(%dma_start3A_168 : memref<128xi32, #tpu.memory_space<vmem>>) offsets(%dma_start3A_171 : memref<128xi32, #tpu.memory_space<vmem>>) semaphore(%dma_start3A_175 : memref<!tpu.dma_semaphore, #tpu.memory_space<semaphore_mem>>)
    %dma_start3A_176 = arith.constant 6 : i32
    %dma_start3A_177 = arith.constant 6 : i32
    %dma_start3A_178 = arith.constant 1 : i32
    %dma_start3A_179 = arith.constant 0 : i32
    %dma_start3A_180 = tpu.memref_slice %arg6[%dma_start3A_177, %dma_start3A_179] : memref<16x128xi32, #tpu.memory_space<vmem>> -> memref<1x128xi32, #tpu.memory_space<vmem>>
    %dma_start3A_181 = tpu.memref_squeeze %dma_start3A_180 : memref<1x128xi32, #tpu.memory_space<vmem>> -> memref<128xi32, #tpu.memory_space<vmem>>
    %dma_start3A_182 = arith.constant 0 : i32
    %dma_start3A_183 = tpu.memref_slice %arg5[%dma_start3A_176, %dma_start3A_182] : memref<16x128xi32, #tpu.memory_space<vmem>> -> memref<1x128xi32, #tpu.memory_space<vmem>>
    %dma_start3A_184 = tpu.memref_squeeze %dma_start3A_183 : memref<1x128xi32, #tpu.memory_space<vmem>> -> memref<128xi32, #tpu.memory_space<vmem>>
    %dma_start3A_185 = arith.constant 0 : i32
    %dma_start3A_186 = tpu.memref_slice %arg3[%dma_start3A_185] : memref<100000xi32, #tpu.memory_space<hbm>> -> memref<100000xi32, #tpu.memory_space<hbm>>
    %dma_start3A_187 = tpu.memref_slice %arg8[%dma_start3A_178] : memref<4x!tpu.dma_semaphore, #tpu.memory_space<semaphore_mem>> -> memref<1x!tpu.dma_semaphore, #tpu.memory_space<semaphore_mem>>
    %dma_start3A_188 = tpu.memref_squeeze %dma_start3A_187 : memref<1x!tpu.dma_semaphore, #tpu.memory_space<semaphore_mem>> -> memref<!tpu.dma_semaphore, #tpu.memory_space<semaphore_mem>>
    tpu.enqueue_indirect_dma source(%dma_start3A_186 : memref<100000xi32, #tpu.memory_space<hbm>>) target(%dma_start3A_181 : memref<128xi32, #tpu.memory_space<vmem>>) offsets(%dma_start3A_184 : memref<128xi32, #tpu.memory_space<vmem>>) semaphore(%dma_start3A_188 : memref<!tpu.dma_semaphore, #tpu.memory_space<semaphore_mem>>)
    %dma_start3A_189 = arith.constant 7 : i32
    %dma_start3A_190 = arith.constant 7 : i32
    %dma_start3A_191 = arith.constant 1 : i32
    %dma_start3A_192 = arith.constant 0 : i32
    %dma_start3A_193 = tpu.memref_slice %arg6[%dma_start3A_190, %dma_start3A_192] : memref<16x128xi32, #tpu.memory_space<vmem>> -> memref<1x128xi32, #tpu.memory_space<vmem>>
    %dma_start3A_194 = tpu.memref_squeeze %dma_start3A_193 : memref<1x128xi32, #tpu.memory_space<vmem>> -> memref<128xi32, #tpu.memory_space<vmem>>
    %dma_start3A_195 = arith.constant 0 : i32
    %dma_start3A_196 = tpu.memref_slice %arg5[%dma_start3A_189, %dma_start3A_195] : memref<16x128xi32, #tpu.memory_space<vmem>> -> memref<1x128xi32, #tpu.memory_space<vmem>>
    %dma_start3A_197 = tpu.memref_squeeze %dma_start3A_196 : memref<1x128xi32, #tpu.memory_space<vmem>> -> memref<128xi32, #tpu.memory_space<vmem>>
    %dma_start3A_198 = arith.constant 0 : i32
    %dma_start3A_199 = tpu.memref_slice %arg3[%dma_start3A_198] : memref<100000xi32, #tpu.memory_space<hbm>> -> memref<100000xi32, #tpu.memory_space<hbm>>
    %dma_start3A_200 = tpu.memref_slice %arg8[%dma_start3A_191] : memref<4x!tpu.dma_semaphore, #tpu.memory_space<semaphore_mem>> -> memref<1x!tpu.dma_semaphore, #tpu.memory_space<semaphore_mem>>
    %dma_start3A_201 = tpu.memref_squeeze %dma_start3A_200 : memref<1x!tpu.dma_semaphore, #tpu.memory_space<semaphore_mem>> -> memref<!tpu.dma_semaphore, #tpu.memory_space<semaphore_mem>>
    tpu.enqueue_indirect_dma source(%dma_start3A_199 : memref<100000xi32, #tpu.memory_space<hbm>>) target(%dma_start3A_194 : memref<128xi32, #tpu.memory_space<vmem>>) offsets(%dma_start3A_197 : memref<128xi32, #tpu.memory_space<vmem>>) semaphore(%dma_start3A_201 : memref<!tpu.dma_semaphore, #tpu.memory_space<semaphore_mem>>)
    %dma_wait3A_202 = arith.constant 2 : i32
    %dma_wait3A_203 = arith.constant 8 : i32
    %dma_wait3A_204 = arith.constant 0 : i32
    %dma_wait3A_205 = tpu.memref_slice %arg5[%dma_wait3A_203, %dma_wait3A_204] : memref<16x128xi32, #tpu.memory_space<vmem>> -> memref<4x128xi32, #tpu.memory_space<vmem>>
    %dma_wait3A_206 = arith.constant 0 : i32
    %dma_wait3A_207 = tpu.memref_slice %arg2[%dma_wait3A_206, %mul3A_40] : memref<4x8192xi32, #tpu.memory_space<hbm>> -> memref<4x128xi32, #tpu.memory_space<hbm>>
    %dma_wait3A_208 = tpu.memref_slice %arg7[%dma_wait3A_202] : memref<4x!tpu.dma_semaphore, #tpu.memory_space<semaphore_mem>> -> memref<1x!tpu.dma_semaphore, #tpu.memory_space<semaphore_mem>>
    %dma_wait3A_209 = tpu.memref_squeeze %dma_wait3A_208 : memref<1x!tpu.dma_semaphore, #tpu.memory_space<semaphore_mem>> -> memref<!tpu.dma_semaphore, #tpu.memory_space<semaphore_mem>>
    %dma_wait3A_210 = arith.constant 8 : i32
    %dma_wait3A_211 = arith.constant 0 : i32
    %dma_wait3A_212 = tpu.memref_slice %arg5[%dma_wait3A_210, %dma_wait3A_211] : memref<16x128xi32, #tpu.memory_space<vmem>> -> memref<4x128xi32, #tpu.memory_space<vmem>>
    %dma_wait3A_213 = arith.constant 0 : i32
    %dma_wait3A_214 = tpu.memref_slice %arg2[%dma_wait3A_213, %mul3A_40] : memref<4x8192xi32, #tpu.memory_space<hbm>> -> memref<4x128xi32, #tpu.memory_space<hbm>>
    tpu.wait_dma2 semaphore(%dma_wait3A_209 : memref<!tpu.dma_semaphore, #tpu.memory_space<semaphore_mem>>) src(%dma_wait3A_214 : memref<4x128xi32, #tpu.memory_space<hbm>>) dst(%dma_wait3A_212 : memref<4x128xi32, #tpu.memory_space<vmem>>)
    %dma_start3A_215 = arith.constant 8 : i32
    %dma_start3A_216 = arith.constant 8 : i32
    %dma_start3A_217 = arith.constant 2 : i32
    %dma_start3A_218 = arith.constant 0 : i32
    %dma_start3A_219 = tpu.memref_slice %arg6[%dma_start3A_216, %dma_start3A_218] : memref<16x128xi32, #tpu.memory_space<vmem>> -> memref<1x128xi32, #tpu.memory_space<vmem>>
    %dma_start3A_220 = tpu.memref_squeeze %dma_start3A_219 : memref<1x128xi32, #tpu.memory_space<vmem>> -> memref<128xi32, #tpu.memory_space<vmem>>
    %dma_start3A_221 = arith.constant 0 : i32
    %dma_start3A_222 = tpu.memref_slice %arg5[%dma_start3A_215, %dma_start3A_221] : memref<16x128xi32, #tpu.memory_space<vmem>> -> memref<1x128xi32, #tpu.memory_space<vmem>>
    %dma_start3A_223 = tpu.memref_squeeze %dma_start3A_222 : memref<1x128xi32, #tpu.memory_space<vmem>> -> memref<128xi32, #tpu.memory_space<vmem>>
    %dma_start3A_224 = arith.constant 0 : i32
    %dma_start3A_225 = tpu.memref_slice %arg3[%dma_start3A_224] : memref<100000xi32, #tpu.memory_space<hbm>> -> memref<100000xi32, #tpu.memory_space<hbm>>
    %dma_start3A_226 = tpu.memref_slice %arg8[%dma_start3A_217] : memref<4x!tpu.dma_semaphore, #tpu.memory_space<semaphore_mem>> -> memref<1x!tpu.dma_semaphore, #tpu.memory_space<semaphore_mem>>
    %dma_start3A_227 = tpu.memref_squeeze %dma_start3A_226 : memref<1x!tpu.dma_semaphore, #tpu.memory_space<semaphore_mem>> -> memref<!tpu.dma_semaphore, #tpu.memory_space<semaphore_mem>>
    tpu.enqueue_indirect_dma source(%dma_start3A_225 : memref<100000xi32, #tpu.memory_space<hbm>>) target(%dma_start3A_220 : memref<128xi32, #tpu.memory_space<vmem>>) offsets(%dma_start3A_223 : memref<128xi32, #tpu.memory_space<vmem>>) semaphore(%dma_start3A_227 : memref<!tpu.dma_semaphore, #tpu.memory_space<semaphore_mem>>)
    %dma_start3A_228 = arith.constant 9 : i32
    %dma_start3A_229 = arith.constant 9 : i32
    %dma_start3A_230 = arith.constant 2 : i32
    %dma_start3A_231 = arith.constant 0 : i32
    %dma_start3A_232 = tpu.memref_slice %arg6[%dma_start3A_229, %dma_start3A_231] : memref<16x128xi32, #tpu.memory_space<vmem>> -> memref<1x128xi32, #tpu.memory_space<vmem>>
    %dma_start3A_233 = tpu.memref_squeeze %dma_start3A_232 : memref<1x128xi32, #tpu.memory_space<vmem>> -> memref<128xi32, #tpu.memory_space<vmem>>
    %dma_start3A_234 = arith.constant 0 : i32
    %dma_start3A_235 = tpu.memref_slice %arg5[%dma_start3A_228, %dma_start3A_234] : memref<16x128xi32, #tpu.memory_space<vmem>> -> memref<1x128xi32, #tpu.memory_space<vmem>>
    %dma_start3A_236 = tpu.memref_squeeze %dma_start3A_235 : memref<1x128xi32, #tpu.memory_space<vmem>> -> memref<128xi32, #tpu.memory_space<vmem>>
    %dma_start3A_237 = arith.constant 0 : i32
    %dma_start3A_238 = tpu.memref_slice %arg3[%dma_start3A_237] : memref<100000xi32, #tpu.memory_space<hbm>> -> memref<100000xi32, #tpu.memory_space<hbm>>
    %dma_start3A_239 = tpu.memref_slice %arg8[%dma_start3A_230] : memref<4x!tpu.dma_semaphore, #tpu.memory_space<semaphore_mem>> -> memref<1x!tpu.dma_semaphore, #tpu.memory_space<semaphore_mem>>
    %dma_start3A_240 = tpu.memref_squeeze %dma_start3A_239 : memref<1x!tpu.dma_semaphore, #tpu.memory_space<semaphore_mem>> -> memref<!tpu.dma_semaphore, #tpu.memory_space<semaphore_mem>>
    tpu.enqueue_indirect_dma source(%dma_start3A_238 : memref<100000xi32, #tpu.memory_space<hbm>>) target(%dma_start3A_233 : memref<128xi32, #tpu.memory_space<vmem>>) offsets(%dma_start3A_236 : memref<128xi32, #tpu.memory_space<vmem>>) semaphore(%dma_start3A_240 : memref<!tpu.dma_semaphore, #tpu.memory_space<semaphore_mem>>)
    %dma_start3A_241 = arith.constant 10 : i32
    %dma_start3A_242 = arith.constant 10 : i32
    %dma_start3A_243 = arith.constant 2 : i32
    %dma_start3A_244 = arith.constant 0 : i32
    %dma_start3A_245 = tpu.memref_slice %arg6[%dma_start3A_242, %dma_start3A_244] : memref<16x128xi32, #tpu.memory_space<vmem>> -> memref<1x128xi32, #tpu.memory_space<vmem>>
    %dma_start3A_246 = tpu.memref_squeeze %dma_start3A_245 : memref<1x128xi32, #tpu.memory_space<vmem>> -> memref<128xi32, #tpu.memory_space<vmem>>
    %dma_start3A_247 = arith.constant 0 : i32
    %dma_start3A_248 = tpu.memref_slice %arg5[%dma_start3A_241, %dma_start3A_247] : memref<16x128xi32, #tpu.memory_space<vmem>> -> memref<1x128xi32, #tpu.memory_space<vmem>>
    %dma_start3A_249 = tpu.memref_squeeze %dma_start3A_248 : memref<1x128xi32, #tpu.memory_space<vmem>> -> memref<128xi32, #tpu.memory_space<vmem>>
    %dma_start3A_250 = arith.constant 0 : i32
    %dma_start3A_251 = tpu.memref_slice %arg3[%dma_start3A_250] : memref<100000xi32, #tpu.memory_space<hbm>> -> memref<100000xi32, #tpu.memory_space<hbm>>
    %dma_start3A_252 = tpu.memref_slice %arg8[%dma_start3A_243] : memref<4x!tpu.dma_semaphore, #tpu.memory_space<semaphore_mem>> -> memref<1x!tpu.dma_semaphore, #tpu.memory_space<semaphore_mem>>
    %dma_start3A_253 = tpu.memref_squeeze %dma_start3A_252 : memref<1x!tpu.dma_semaphore, #tpu.memory_space<semaphore_mem>> -> memref<!tpu.dma_semaphore, #tpu.memory_space<semaphore_mem>>
    tpu.enqueue_indirect_dma source(%dma_start3A_251 : memref<100000xi32, #tpu.memory_space<hbm>>) target(%dma_start3A_246 : memref<128xi32, #tpu.memory_space<vmem>>) offsets(%dma_start3A_249 : memref<128xi32, #tpu.memory_space<vmem>>) semaphore(%dma_start3A_253 : memref<!tpu.dma_semaphore, #tpu.memory_space<semaphore_mem>>)
    %dma_start3A_254 = arith.constant 11 : i32
    %dma_start3A_255 = arith.constant 11 : i32
    %dma_start3A_256 = arith.constant 2 : i32
    %dma_start3A_257 = arith.constant 0 : i32
    %dma_start3A_258 = tpu.memref_slice %arg6[%dma_start3A_255, %dma_start3A_257] : memref<16x128xi32, #tpu.memory_space<vmem>> -> memref<1x128xi32, #tpu.memory_space<vmem>>
    %dma_start3A_259 = tpu.memref_squeeze %dma_start3A_258 : memref<1x128xi32, #tpu.memory_space<vmem>> -> memref<128xi32, #tpu.memory_space<vmem>>
    %dma_start3A_260 = arith.constant 0 : i32
    %dma_start3A_261 = tpu.memref_slice %arg5[%dma_start3A_254, %dma_start3A_260] : memref<16x128xi32, #tpu.memory_space<vmem>> -> memref<1x128xi32, #tpu.memory_space<vmem>>
    %dma_start3A_262 = tpu.memref_squeeze %dma_start3A_261 : memref<1x128xi32, #tpu.memory_space<vmem>> -> memref<128xi32, #tpu.memory_space<vmem>>
    %dma_start3A_263 = arith.constant 0 : i32
    %dma_start3A_264 = tpu.memref_slice %arg3[%dma_start3A_263] : memref<100000xi32, #tpu.memory_space<hbm>> -> memref<100000xi32, #tpu.memory_space<hbm>>
    %dma_start3A_265 = tpu.memref_slice %arg8[%dma_start3A_256] : memref<4x!tpu.dma_semaphore, #tpu.memory_space<semaphore_mem>> -> memref<1x!tpu.dma_semaphore, #tpu.memory_space<semaphore_mem>>
    %dma_start3A_266 = tpu.memref_squeeze %dma_start3A_265 : memref<1x!tpu.dma_semaphore, #tpu.memory_space<semaphore_mem>> -> memref<!tpu.dma_semaphore, #tpu.memory_space<semaphore_mem>>
    tpu.enqueue_indirect_dma source(%dma_start3A_264 : memref<100000xi32, #tpu.memory_space<hbm>>) target(%dma_start3A_259 : memref<128xi32, #tpu.memory_space<vmem>>) offsets(%dma_start3A_262 : memref<128xi32, #tpu.memory_space<vmem>>) semaphore(%dma_start3A_266 : memref<!tpu.dma_semaphore, #tpu.memory_space<semaphore_mem>>)
    %dma_wait3A_267 = arith.constant 3 : i32
    %dma_wait3A_268 = arith.constant 12 : i32
    %dma_wait3A_269 = arith.constant 0 : i32
    %dma_wait3A_270 = tpu.memref_slice %arg5[%dma_wait3A_268, %dma_wait3A_269] : memref<16x128xi32, #tpu.memory_space<vmem>> -> memref<4x128xi32, #tpu.memory_space<vmem>>
    %dma_wait3A_271 = arith.constant 0 : i32
    %dma_wait3A_272 = tpu.memref_slice %arg2[%dma_wait3A_271, %mul3A_59] : memref<4x8192xi32, #tpu.memory_space<hbm>> -> memref<4x128xi32, #tpu.memory_space<hbm>>
    %dma_wait3A_273 = tpu.memref_slice %arg7[%dma_wait3A_267] : memref<4x!tpu.dma_semaphore, #tpu.memory_space<semaphore_mem>> -> memref<1x!tpu.dma_semaphore, #tpu.memory_space<semaphore_mem>>
    %dma_wait3A_274 = tpu.memref_squeeze %dma_wait3A_273 : memref<1x!tpu.dma_semaphore, #tpu.memory_space<semaphore_mem>> -> memref<!tpu.dma_semaphore, #tpu.memory_space<semaphore_mem>>
    %dma_wait3A_275 = arith.constant 12 : i32
    %dma_wait3A_276 = arith.constant 0 : i32
    %dma_wait3A_277 = tpu.memref_slice %arg5[%dma_wait3A_275, %dma_wait3A_276] : memref<16x128xi32, #tpu.memory_space<vmem>> -> memref<4x128xi32, #tpu.memory_space<vmem>>
    %dma_wait3A_278 = arith.constant 0 : i32
    %dma_wait3A_279 = tpu.memref_slice %arg2[%dma_wait3A_278, %mul3A_59] : memref<4x8192xi32, #tpu.memory_space<hbm>> -> memref<4x128xi32, #tpu.memory_space<hbm>>
    tpu.wait_dma2 semaphore(%dma_wait3A_274 : memref<!tpu.dma_semaphore, #tpu.memory_space<semaphore_mem>>) src(%dma_wait3A_279 : memref<4x128xi32, #tpu.memory_space<hbm>>) dst(%dma_wait3A_277 : memref<4x128xi32, #tpu.memory_space<vmem>>)
    %dma_start3A_280 = arith.constant 12 : i32
    %dma_start3A_281 = arith.constant 12 : i32
    %dma_start3A_282 = arith.constant 3 : i32
    %dma_start3A_283 = arith.constant 0 : i32
    %dma_start3A_284 = tpu.memref_slice %arg6[%dma_start3A_281, %dma_start3A_283] : memref<16x128xi32, #tpu.memory_space<vmem>> -> memref<1x128xi32, #tpu.memory_space<vmem>>
    %dma_start3A_285 = tpu.memref_squeeze %dma_start3A_284 : memref<1x128xi32, #tpu.memory_space<vmem>> -> memref<128xi32, #tpu.memory_space<vmem>>
    %dma_start3A_286 = arith.constant 0 : i32
    %dma_start3A_287 = tpu.memref_slice %arg5[%dma_start3A_280, %dma_start3A_286] : memref<16x128xi32, #tpu.memory_space<vmem>> -> memref<1x128xi32, #tpu.memory_space<vmem>>
    %dma_start3A_288 = tpu.memref_squeeze %dma_start3A_287 : memref<1x128xi32, #tpu.memory_space<vmem>> -> memref<128xi32, #tpu.memory_space<vmem>>
    %dma_start3A_289 = arith.constant 0 : i32
    %dma_start3A_290 = tpu.memref_slice %arg3[%dma_start3A_289] : memref<100000xi32, #tpu.memory_space<hbm>> -> memref<100000xi32, #tpu.memory_space<hbm>>
    %dma_start3A_291 = tpu.memref_slice %arg8[%dma_start3A_282] : memref<4x!tpu.dma_semaphore, #tpu.memory_space<semaphore_mem>> -> memref<1x!tpu.dma_semaphore, #tpu.memory_space<semaphore_mem>>
    %dma_start3A_292 = tpu.memref_squeeze %dma_start3A_291 : memref<1x!tpu.dma_semaphore, #tpu.memory_space<semaphore_mem>> -> memref<!tpu.dma_semaphore, #tpu.memory_space<semaphore_mem>>
    tpu.enqueue_indirect_dma source(%dma_start3A_290 : memref<100000xi32, #tpu.memory_space<hbm>>) target(%dma_start3A_285 : memref<128xi32, #tpu.memory_space<vmem>>) offsets(%dma_start3A_288 : memref<128xi32, #tpu.memory_space<vmem>>) semaphore(%dma_start3A_292 : memref<!tpu.dma_semaphore, #tpu.memory_space<semaphore_mem>>)
    %dma_start3A_293 = arith.constant 13 : i32
    %dma_start3A_294 = arith.constant 13 : i32
    %dma_start3A_295 = arith.constant 3 : i32
    %dma_start3A_296 = arith.constant 0 : i32
    %dma_start3A_297 = tpu.memref_slice %arg6[%dma_start3A_294, %dma_start3A_296] : memref<16x128xi32, #tpu.memory_space<vmem>> -> memref<1x128xi32, #tpu.memory_space<vmem>>
    %dma_start3A_298 = tpu.memref_squeeze %dma_start3A_297 : memref<1x128xi32, #tpu.memory_space<vmem>> -> memref<128xi32, #tpu.memory_space<vmem>>
    %dma_start3A_299 = arith.constant 0 : i32
    %dma_start3A_300 = tpu.memref_slice %arg5[%dma_start3A_293, %dma_start3A_299] : memref<16x128xi32, #tpu.memory_space<vmem>> -> memref<1x128xi32, #tpu.memory_space<vmem>>
    %dma_start3A_301 = tpu.memref_squeeze %dma_start3A_300 : memref<1x128xi32, #tpu.memory_space<vmem>> -> memref<128xi32, #tpu.memory_space<vmem>>
    %dma_start3A_302 = arith.constant 0 : i32
    %dma_start3A_303 = tpu.memref_slice %arg3[%dma_start3A_302] : memref<100000xi32, #tpu.memory_space<hbm>> -> memref<100000xi32, #tpu.memory_space<hbm>>
    %dma_start3A_304 = tpu.memref_slice %arg8[%dma_start3A_295] : memref<4x!tpu.dma_semaphore, #tpu.memory_space<semaphore_mem>> -> memref<1x!tpu.dma_semaphore, #tpu.memory_space<semaphore_mem>>
    %dma_start3A_305 = tpu.memref_squeeze %dma_start3A_304 : memref<1x!tpu.dma_semaphore, #tpu.memory_space<semaphore_mem>> -> memref<!tpu.dma_semaphore, #tpu.memory_space<semaphore_mem>>
    tpu.enqueue_indirect_dma source(%dma_start3A_303 : memref<100000xi32, #tpu.memory_space<hbm>>) target(%dma_start3A_298 : memref<128xi32, #tpu.memory_space<vmem>>) offsets(%dma_start3A_301 : memref<128xi32, #tpu.memory_space<vmem>>) semaphore(%dma_start3A_305 : memref<!tpu.dma_semaphore, #tpu.memory_space<semaphore_mem>>)
    %dma_start3A_306 = arith.constant 14 : i32
    %dma_start3A_307 = arith.constant 14 : i32
    %dma_start3A_308 = arith.constant 3 : i32
    %dma_start3A_309 = arith.constant 0 : i32
    %dma_start3A_310 = tpu.memref_slice %arg6[%dma_start3A_307, %dma_start3A_309] : memref<16x128xi32, #tpu.memory_space<vmem>> -> memref<1x128xi32, #tpu.memory_space<vmem>>
    %dma_start3A_311 = tpu.memref_squeeze %dma_start3A_310 : memref<1x128xi32, #tpu.memory_space<vmem>> -> memref<128xi32, #tpu.memory_space<vmem>>
    %dma_start3A_312 = arith.constant 0 : i32
    %dma_start3A_313 = tpu.memref_slice %arg5[%dma_start3A_306, %dma_start3A_312] : memref<16x128xi32, #tpu.memory_space<vmem>> -> memref<1x128xi32, #tpu.memory_space<vmem>>
    %dma_start3A_314 = tpu.memref_squeeze %dma_start3A_313 : memref<1x128xi32, #tpu.memory_space<vmem>> -> memref<128xi32, #tpu.memory_space<vmem>>
    %dma_start3A_315 = arith.constant 0 : i32
    %dma_start3A_316 = tpu.memref_slice %arg3[%dma_start3A_315] : memref<100000xi32, #tpu.memory_space<hbm>> -> memref<100000xi32, #tpu.memory_space<hbm>>
    %dma_start3A_317 = tpu.memref_slice %arg8[%dma_start3A_308] : memref<4x!tpu.dma_semaphore, #tpu.memory_space<semaphore_mem>> -> memref<1x!tpu.dma_semaphore, #tpu.memory_space<semaphore_mem>>
    %dma_start3A_318 = tpu.memref_squeeze %dma_start3A_317 : memref<1x!tpu.dma_semaphore, #tpu.memory_space<semaphore_mem>> -> memref<!tpu.dma_semaphore, #tpu.memory_space<semaphore_mem>>
    tpu.enqueue_indirect_dma source(%dma_start3A_316 : memref<100000xi32, #tpu.memory_space<hbm>>) target(%dma_start3A_311 : memref<128xi32, #tpu.memory_space<vmem>>) offsets(%dma_start3A_314 : memref<128xi32, #tpu.memory_space<vmem>>) semaphore(%dma_start3A_318 : memref<!tpu.dma_semaphore, #tpu.memory_space<semaphore_mem>>)
    %dma_start3A_319 = arith.constant 15 : i32
    %dma_start3A_320 = arith.constant 15 : i32
    %dma_start3A_321 = arith.constant 3 : i32
    %dma_start3A_322 = arith.constant 0 : i32
    %dma_start3A_323 = tpu.memref_slice %arg6[%dma_start3A_320, %dma_start3A_322] : memref<16x128xi32, #tpu.memory_space<vmem>> -> memref<1x128xi32, #tpu.memory_space<vmem>>
    %dma_start3A_324 = tpu.memref_squeeze %dma_start3A_323 : memref<1x128xi32, #tpu.memory_space<vmem>> -> memref<128xi32, #tpu.memory_space<vmem>>
    %dma_start3A_325 = arith.constant 0 : i32
    %dma_start3A_326 = tpu.memref_slice %arg5[%dma_start3A_319, %dma_start3A_325] : memref<16x128xi32, #tpu.memory_space<vmem>> -> memref<1x128xi32, #tpu.memory_space<vmem>>
    %dma_start3A_327 = tpu.memref_squeeze %dma_start3A_326 : memref<1x128xi32, #tpu.memory_space<vmem>> -> memref<128xi32, #tpu.memory_space<vmem>>
    %dma_start3A_328 = arith.constant 0 : i32
    %dma_start3A_329 = tpu.memref_slice %arg3[%dma_start3A_328] : memref<100000xi32, #tpu.memory_space<hbm>> -> memref<100000xi32, #tpu.memory_space<hbm>>
    %dma_start3A_330 = tpu.memref_slice %arg8[%dma_start3A_321] : memref<4x!tpu.dma_semaphore, #tpu.memory_space<semaphore_mem>> -> memref<1x!tpu.dma_semaphore, #tpu.memory_space<semaphore_mem>>
    %dma_start3A_331 = tpu.memref_squeeze %dma_start3A_330 : memref<1x!tpu.dma_semaphore, #tpu.memory_space<semaphore_mem>> -> memref<!tpu.dma_semaphore, #tpu.memory_space<semaphore_mem>>
    tpu.enqueue_indirect_dma source(%dma_start3A_329 : memref<100000xi32, #tpu.memory_space<hbm>>) target(%dma_start3A_324 : memref<128xi32, #tpu.memory_space<vmem>>) offsets(%dma_start3A_327 : memref<128xi32, #tpu.memory_space<vmem>>) semaphore(%dma_start3A_331 : memref<!tpu.dma_semaphore, #tpu.memory_space<semaphore_mem>>)
    %dma_wait3A_332 = arith.constant 0 : i32
    %dma_wait3A_333 = arith.constant 0 : i32
    %dma_wait3A_334 = arith.constant 0 : i32
    %dma_wait3A_335 = arith.constant 0 : i32
    %dma_wait3A_336 = tpu.memref_slice %arg6[%dma_wait3A_333, %dma_wait3A_335] : memref<16x128xi32, #tpu.memory_space<vmem>> -> memref<1x128xi32, #tpu.memory_space<vmem>>
    %dma_wait3A_337 = tpu.memref_squeeze %dma_wait3A_336 : memref<1x128xi32, #tpu.memory_space<vmem>> -> memref<128xi32, #tpu.memory_space<vmem>>
    %dma_wait3A_338 = arith.constant 0 : i32
    %dma_wait3A_339 = tpu.memref_slice %arg5[%dma_wait3A_332, %dma_wait3A_338] : memref<16x128xi32, #tpu.memory_space<vmem>> -> memref<1x128xi32, #tpu.memory_space<vmem>>
    %dma_wait3A_340 = tpu.memref_squeeze %dma_wait3A_339 : memref<1x128xi32, #tpu.memory_space<vmem>> -> memref<128xi32, #tpu.memory_space<vmem>>
    %dma_wait3A_341 = arith.constant 0 : i32
    %dma_wait3A_342 = tpu.memref_slice %arg3[%dma_wait3A_341] : memref<100000xi32, #tpu.memory_space<hbm>> -> memref<100000xi32, #tpu.memory_space<hbm>>
    %dma_wait3A_343 = tpu.memref_slice %arg8[%dma_wait3A_334] : memref<4x!tpu.dma_semaphore, #tpu.memory_space<semaphore_mem>> -> memref<1x!tpu.dma_semaphore, #tpu.memory_space<semaphore_mem>>
    %dma_wait3A_344 = tpu.memref_squeeze %dma_wait3A_343 : memref<1x!tpu.dma_semaphore, #tpu.memory_space<semaphore_mem>> -> memref<!tpu.dma_semaphore, #tpu.memory_space<semaphore_mem>>
    tpu.wait_indirect_dma semaphore(%dma_wait3A_344 : memref<!tpu.dma_semaphore, #tpu.memory_space<semaphore_mem>>) src(%dma_wait3A_342 : memref<100000xi32, #tpu.memory_space<hbm>>) dst(%dma_wait3A_337 : memref<128xi32, #tpu.memory_space<vmem>>)
    %dma_wait3A_345 = arith.constant 1 : i32
    %dma_wait3A_346 = arith.constant 1 : i32
    %dma_wait3A_347 = arith.constant 0 : i32
    %dma_wait3A_348 = arith.constant 0 : i32
    %dma_wait3A_349 = tpu.memref_slice %arg6[%dma_wait3A_346, %dma_wait3A_348] : memref<16x128xi32, #tpu.memory_space<vmem>> -> memref<1x128xi32, #tpu.memory_space<vmem>>
    %dma_wait3A_350 = tpu.memref_squeeze %dma_wait3A_349 : memref<1x128xi32, #tpu.memory_space<vmem>> -> memref<128xi32, #tpu.memory_space<vmem>>
    %dma_wait3A_351 = arith.constant 0 : i32
    %dma_wait3A_352 = tpu.memref_slice %arg5[%dma_wait3A_345, %dma_wait3A_351] : memref<16x128xi32, #tpu.memory_space<vmem>> -> memref<1x128xi32, #tpu.memory_space<vmem>>
    %dma_wait3A_353 = tpu.memref_squeeze %dma_wait3A_352 : memref<1x128xi32, #tpu.memory_space<vmem>> -> memref<128xi32, #tpu.memory_space<vmem>>
    %dma_wait3A_354 = arith.constant 0 : i32
    %dma_wait3A_355 = tpu.memref_slice %arg3[%dma_wait3A_354] : memref<100000xi32, #tpu.memory_space<hbm>> -> memref<100000xi32, #tpu.memory_space<hbm>>
    %dma_wait3A_356 = tpu.memref_slice %arg8[%dma_wait3A_347] : memref<4x!tpu.dma_semaphore, #tpu.memory_space<semaphore_mem>> -> memref<1x!tpu.dma_semaphore, #tpu.memory_space<semaphore_mem>>
    %dma_wait3A_357 = tpu.memref_squeeze %dma_wait3A_356 : memref<1x!tpu.dma_semaphore, #tpu.memory_space<semaphore_mem>> -> memref<!tpu.dma_semaphore, #tpu.memory_space<semaphore_mem>>
    tpu.wait_indirect_dma semaphore(%dma_wait3A_357 : memref<!tpu.dma_semaphore, #tpu.memory_space<semaphore_mem>>) src(%dma_wait3A_355 : memref<100000xi32, #tpu.memory_space<hbm>>) dst(%dma_wait3A_350 : memref<128xi32, #tpu.memory_space<vmem>>)
    %dma_wait3A_358 = arith.constant 2 : i32
    %dma_wait3A_359 = arith.constant 2 : i32
    %dma_wait3A_360 = arith.constant 0 : i32
    %dma_wait3A_361 = arith.constant 0 : i32
    %dma_wait3A_362 = tpu.memref_slice %arg6[%dma_wait3A_359, %dma_wait3A_361] : memref<16x128xi32, #tpu.memory_space<vmem>> -> memref<1x128xi32, #tpu.memory_space<vmem>>
    %dma_wait3A_363 = tpu.memref_squeeze %dma_wait3A_362 : memref<1x128xi32, #tpu.memory_space<vmem>> -> memref<128xi32, #tpu.memory_space<vmem>>
    %dma_wait3A_364 = arith.constant 0 : i32
    %dma_wait3A_365 = tpu.memref_slice %arg5[%dma_wait3A_358, %dma_wait3A_364] : memref<16x128xi32, #tpu.memory_space<vmem>> -> memref<1x128xi32, #tpu.memory_space<vmem>>
    %dma_wait3A_366 = tpu.memref_squeeze %dma_wait3A_365 : memref<1x128xi32, #tpu.memory_space<vmem>> -> memref<128xi32, #tpu.memory_space<vmem>>
    %dma_wait3A_367 = arith.constant 0 : i32
    %dma_wait3A_368 = tpu.memref_slice %arg3[%dma_wait3A_367] : memref<100000xi32, #tpu.memory_space<hbm>> -> memref<100000xi32, #tpu.memory_space<hbm>>
    %dma_wait3A_369 = tpu.memref_slice %arg8[%dma_wait3A_360] : memref<4x!tpu.dma_semaphore, #tpu.memory_space<semaphore_mem>> -> memref<1x!tpu.dma_semaphore, #tpu.memory_space<semaphore_mem>>
    %dma_wait3A_370 = tpu.memref_squeeze %dma_wait3A_369 : memref<1x!tpu.dma_semaphore, #tpu.memory_space<semaphore_mem>> -> memref<!tpu.dma_semaphore, #tpu.memory_space<semaphore_mem>>
    tpu.wait_indirect_dma semaphore(%dma_wait3A_370 : memref<!tpu.dma_semaphore, #tpu.memory_space<semaphore_mem>>) src(%dma_wait3A_368 : memref<100000xi32, #tpu.memory_space<hbm>>) dst(%dma_wait3A_363 : memref<128xi32, #tpu.memory_space<vmem>>)
    %dma_wait3A_371 = arith.constant 3 : i32
    %dma_wait3A_372 = arith.constant 3 : i32
    %dma_wait3A_373 = arith.constant 0 : i32
    %dma_wait3A_374 = arith.constant 0 : i32
    %dma_wait3A_375 = tpu.memref_slice %arg6[%dma_wait3A_372, %dma_wait3A_374] : memref<16x128xi32, #tpu.memory_space<vmem>> -> memref<1x128xi32, #tpu.memory_space<vmem>>
    %dma_wait3A_376 = tpu.memref_squeeze %dma_wait3A_375 : memref<1x128xi32, #tpu.memory_space<vmem>> -> memref<128xi32, #tpu.memory_space<vmem>>
    %dma_wait3A_377 = arith.constant 0 : i32
    %dma_wait3A_378 = tpu.memref_slice %arg5[%dma_wait3A_371, %dma_wait3A_377] : memref<16x128xi32, #tpu.memory_space<vmem>> -> memref<1x128xi32, #tpu.memory_space<vmem>>
    %dma_wait3A_379 = tpu.memref_squeeze %dma_wait3A_378 : memref<1x128xi32, #tpu.memory_space<vmem>> -> memref<128xi32, #tpu.memory_space<vmem>>
    %dma_wait3A_380 = arith.constant 0 : i32
    %dma_wait3A_381 = tpu.memref_slice %arg3[%dma_wait3A_380] : memref<100000xi32, #tpu.memory_space<hbm>> -> memref<100000xi32, #tpu.memory_space<hbm>>
    %dma_wait3A_382 = tpu.memref_slice %arg8[%dma_wait3A_373] : memref<4x!tpu.dma_semaphore, #tpu.memory_space<semaphore_mem>> -> memref<1x!tpu.dma_semaphore, #tpu.memory_space<semaphore_mem>>
    %dma_wait3A_383 = tpu.memref_squeeze %dma_wait3A_382 : memref<1x!tpu.dma_semaphore, #tpu.memory_space<semaphore_mem>> -> memref<!tpu.dma_semaphore, #tpu.memory_space<semaphore_mem>>
    tpu.wait_indirect_dma semaphore(%dma_wait3A_383 : memref<!tpu.dma_semaphore, #tpu.memory_space<semaphore_mem>>) src(%dma_wait3A_381 : memref<100000xi32, #tpu.memory_space<hbm>>) dst(%dma_wait3A_376 : memref<128xi32, #tpu.memory_space<vmem>>)
    %mul3A_384 = arith.constant 4 : i32
    %mul3A_385 = arith.muli %arg1, %mul3A_384 : i32
    %add3A_386 = arith.constant 0 : i32
    %add3A_387 = arith.addi %mul3A_385, %add3A_386 : i32
    %mul3A_388 = arith.constant 128 : i32
    %mul3A_389 = arith.muli %add3A_387, %mul3A_388 : i32
    %dma_start3A_390 = arith.constant 0 : i32
    %dma_start3A_391 = arith.constant 0 : i32
    %dma_start3A_392 = tpu.memref_slice %arg6[%dma_start3A_390, %dma_start3A_391] : memref<16x128xi32, #tpu.memory_space<vmem>> -> memref<4x128xi32, #tpu.memory_space<vmem>>
    %dma_start3A_393 = arith.constant 0 : i32
    %dma_start3A_394 = tpu.memref_slice %arg4[%dma_start3A_393, %mul3A_389] : memref<4x8192xi32, #tpu.memory_space<hbm>> -> memref<4x128xi32, #tpu.memory_space<hbm>>
    %dma_start3A_395 = arith.constant 0 : i32
    %dma_start3A_396 = tpu.memref_slice %arg4[%dma_start3A_395, %mul3A_389] : memref<4x8192xi32, #tpu.memory_space<hbm>> -> memref<4x128xi32, #tpu.memory_space<hbm>>
    %dma_start3A_397 = arith.constant 0 : i32
    %dma_start3A_398 = arith.constant 0 : i32
    %dma_start3A_399 = tpu.memref_slice %arg6[%dma_start3A_397, %dma_start3A_398] : memref<16x128xi32, #tpu.memory_space<vmem>> -> memref<4x128xi32, #tpu.memory_space<vmem>>
    tpu.enqueue_dma source(%dma_start3A_399 : memref<4x128xi32, #tpu.memory_space<vmem>>) target(%dma_start3A_396 : memref<4x128xi32, #tpu.memory_space<hbm>>) target_semaphore(%arg9 : memref<!tpu.dma_semaphore, #tpu.memory_space<semaphore_mem>>)
    %dma_wait3A_400 = arith.constant 4 : i32
    %dma_wait3A_401 = arith.constant 4 : i32
    %dma_wait3A_402 = arith.constant 1 : i32
    %dma_wait3A_403 = arith.constant 0 : i32
    %dma_wait3A_404 = tpu.memref_slice %arg6[%dma_wait3A_401, %dma_wait3A_403] : memref<16x128xi32, #tpu.memory_space<vmem>> -> memref<1x128xi32, #tpu.memory_space<vmem>>
    %dma_wait3A_405 = tpu.memref_squeeze %dma_wait3A_404 : memref<1x128xi32, #tpu.memory_space<vmem>> -> memref<128xi32, #tpu.memory_space<vmem>>
    %dma_wait3A_406 = arith.constant 0 : i32
    %dma_wait3A_407 = tpu.memref_slice %arg5[%dma_wait3A_400, %dma_wait3A_406] : memref<16x128xi32, #tpu.memory_space<vmem>> -> memref<1x128xi32, #tpu.memory_space<vmem>>
    %dma_wait3A_408 = tpu.memref_squeeze %dma_wait3A_407 : memref<1x128xi32, #tpu.memory_space<vmem>> -> memref<128xi32, #tpu.memory_space<vmem>>
    %dma_wait3A_409 = arith.constant 0 : i32
    %dma_wait3A_410 = tpu.memref_slice %arg3[%dma_wait3A_409] : memref<100000xi32, #tpu.memory_space<hbm>> -> memref<100000xi32, #tpu.memory_space<hbm>>
    %dma_wait3A_411 = tpu.memref_slice %arg8[%dma_wait3A_402] : memref<4x!tpu.dma_semaphore, #tpu.memory_space<semaphore_mem>> -> memref<1x!tpu.dma_semaphore, #tpu.memory_space<semaphore_mem>>
    %dma_wait3A_412 = tpu.memref_squeeze %dma_wait3A_411 : memref<1x!tpu.dma_semaphore, #tpu.memory_space<semaphore_mem>> -> memref<!tpu.dma_semaphore, #tpu.memory_space<semaphore_mem>>
    tpu.wait_indirect_dma semaphore(%dma_wait3A_412 : memref<!tpu.dma_semaphore, #tpu.memory_space<semaphore_mem>>) src(%dma_wait3A_410 : memref<100000xi32, #tpu.memory_space<hbm>>) dst(%dma_wait3A_405 : memref<128xi32, #tpu.memory_space<vmem>>)
    %dma_wait3A_413 = arith.constant 5 : i32
    %dma_wait3A_414 = arith.constant 5 : i32
    %dma_wait3A_415 = arith.constant 1 : i32
    %dma_wait3A_416 = arith.constant 0 : i32
    %dma_wait3A_417 = tpu.memref_slice %arg6[%dma_wait3A_414, %dma_wait3A_416] : memref<16x128xi32, #tpu.memory_space<vmem>> -> memref<1x128xi32, #tpu.memory_space<vmem>>
    %dma_wait3A_418 = tpu.memref_squeeze %dma_wait3A_417 : memref<1x128xi32, #tpu.memory_space<vmem>> -> memref<128xi32, #tpu.memory_space<vmem>>
    %dma_wait3A_419 = arith.constant 0 : i32
    %dma_wait3A_420 = tpu.memref_slice %arg5[%dma_wait3A_413, %dma_wait3A_419] : memref<16x128xi32, #tpu.memory_space<vmem>> -> memref<1x128xi32, #tpu.memory_space<vmem>>
    %dma_wait3A_421 = tpu.memref_squeeze %dma_wait3A_420 : memref<1x128xi32, #tpu.memory_space<vmem>> -> memref<128xi32, #tpu.memory_space<vmem>>
    %dma_wait3A_422 = arith.constant 0 : i32
    %dma_wait3A_423 = tpu.memref_slice %arg3[%dma_wait3A_422] : memref<100000xi32, #tpu.memory_space<hbm>> -> memref<100000xi32, #tpu.memory_space<hbm>>
    %dma_wait3A_424 = tpu.memref_slice %arg8[%dma_wait3A_415] : memref<4x!tpu.dma_semaphore, #tpu.memory_space<semaphore_mem>> -> memref<1x!tpu.dma_semaphore, #tpu.memory_space<semaphore_mem>>
    %dma_wait3A_425 = tpu.memref_squeeze %dma_wait3A_424 : memref<1x!tpu.dma_semaphore, #tpu.memory_space<semaphore_mem>> -> memref<!tpu.dma_semaphore, #tpu.memory_space<semaphore_mem>>
    tpu.wait_indirect_dma semaphore(%dma_wait3A_425 : memref<!tpu.dma_semaphore, #tpu.memory_space<semaphore_mem>>) src(%dma_wait3A_423 : memref<100000xi32, #tpu.memory_space<hbm>>) dst(%dma_wait3A_418 : memref<128xi32, #tpu.memory_space<vmem>>)
    %dma_wait3A_426 = arith.constant 6 : i32
    %dma_wait3A_427 = arith.constant 6 : i32
    %dma_wait3A_428 = arith.constant 1 : i32
    %dma_wait3A_429 = arith.constant 0 : i32
    %dma_wait3A_430 = tpu.memref_slice %arg6[%dma_wait3A_427, %dma_wait3A_429] : memref<16x128xi32, #tpu.memory_space<vmem>> -> memref<1x128xi32, #tpu.memory_space<vmem>>
    %dma_wait3A_431 = tpu.memref_squeeze %dma_wait3A_430 : memref<1x128xi32, #tpu.memory_space<vmem>> -> memref<128xi32, #tpu.memory_space<vmem>>
    %dma_wait3A_432 = arith.constant 0 : i32
    %dma_wait3A_433 = tpu.memref_slice %arg5[%dma_wait3A_426, %dma_wait3A_432] : memref<16x128xi32, #tpu.memory_space<vmem>> -> memref<1x128xi32, #tpu.memory_space<vmem>>
    %dma_wait3A_434 = tpu.memref_squeeze %dma_wait3A_433 : memref<1x128xi32, #tpu.memory_space<vmem>> -> memref<128xi32, #tpu.memory_space<vmem>>
    %dma_wait3A_435 = arith.constant 0 : i32
    %dma_wait3A_436 = tpu.memref_slice %arg3[%dma_wait3A_435] : memref<100000xi32, #tpu.memory_space<hbm>> -> memref<100000xi32, #tpu.memory_space<hbm>>
    %dma_wait3A_437 = tpu.memref_slice %arg8[%dma_wait3A_428] : memref<4x!tpu.dma_semaphore, #tpu.memory_space<semaphore_mem>> -> memref<1x!tpu.dma_semaphore, #tpu.memory_space<semaphore_mem>>
    %dma_wait3A_438 = tpu.memref_squeeze %dma_wait3A_437 : memref<1x!tpu.dma_semaphore, #tpu.memory_space<semaphore_mem>> -> memref<!tpu.dma_semaphore, #tpu.memory_space<semaphore_mem>>
    tpu.wait_indirect_dma semaphore(%dma_wait3A_438 : memref<!tpu.dma_semaphore, #tpu.memory_space<semaphore_mem>>) src(%dma_wait3A_436 : memref<100000xi32, #tpu.memory_space<hbm>>) dst(%dma_wait3A_431 : memref<128xi32, #tpu.memory_space<vmem>>)
    %dma_wait3A_439 = arith.constant 7 : i32
    %dma_wait3A_440 = arith.constant 7 : i32
    %dma_wait3A_441 = arith.constant 1 : i32
    %dma_wait3A_442 = arith.constant 0 : i32
    %dma_wait3A_443 = tpu.memref_slice %arg6[%dma_wait3A_440, %dma_wait3A_442] : memref<16x128xi32, #tpu.memory_space<vmem>> -> memref<1x128xi32, #tpu.memory_space<vmem>>
    %dma_wait3A_444 = tpu.memref_squeeze %dma_wait3A_443 : memref<1x128xi32, #tpu.memory_space<vmem>> -> memref<128xi32, #tpu.memory_space<vmem>>
    %dma_wait3A_445 = arith.constant 0 : i32
    %dma_wait3A_446 = tpu.memref_slice %arg5[%dma_wait3A_439, %dma_wait3A_445] : memref<16x128xi32, #tpu.memory_space<vmem>> -> memref<1x128xi32, #tpu.memory_space<vmem>>
    %dma_wait3A_447 = tpu.memref_squeeze %dma_wait3A_446 : memref<1x128xi32, #tpu.memory_space<vmem>> -> memref<128xi32, #tpu.memory_space<vmem>>
    %dma_wait3A_448 = arith.constant 0 : i32
    %dma_wait3A_449 = tpu.memref_slice %arg3[%dma_wait3A_448] : memref<100000xi32, #tpu.memory_space<hbm>> -> memref<100000xi32, #tpu.memory_space<hbm>>
    %dma_wait3A_450 = tpu.memref_slice %arg8[%dma_wait3A_441] : memref<4x!tpu.dma_semaphore, #tpu.memory_space<semaphore_mem>> -> memref<1x!tpu.dma_semaphore, #tpu.memory_space<semaphore_mem>>
    %dma_wait3A_451 = tpu.memref_squeeze %dma_wait3A_450 : memref<1x!tpu.dma_semaphore, #tpu.memory_space<semaphore_mem>> -> memref<!tpu.dma_semaphore, #tpu.memory_space<semaphore_mem>>
    tpu.wait_indirect_dma semaphore(%dma_wait3A_451 : memref<!tpu.dma_semaphore, #tpu.memory_space<semaphore_mem>>) src(%dma_wait3A_449 : memref<100000xi32, #tpu.memory_space<hbm>>) dst(%dma_wait3A_444 : memref<128xi32, #tpu.memory_space<vmem>>)
    %mul3A_452 = arith.constant 4 : i32
    %mul3A_453 = arith.muli %arg1, %mul3A_452 : i32
    %add3A_454 = arith.constant 1 : i32
    %add3A_455 = arith.addi %mul3A_453, %add3A_454 : i32
    %mul3A_456 = arith.constant 128 : i32
    %mul3A_457 = arith.muli %add3A_455, %mul3A_456 : i32
    %dma_start3A_458 = arith.constant 4 : i32
    %dma_start3A_459 = arith.constant 0 : i32
    %dma_start3A_460 = tpu.memref_slice %arg6[%dma_start3A_458, %dma_start3A_459] : memref<16x128xi32, #tpu.memory_space<vmem>> -> memref<4x128xi32, #tpu.memory_space<vmem>>
    %dma_start3A_461 = arith.constant 0 : i32
    %dma_start3A_462 = tpu.memref_slice %arg4[%dma_start3A_461, %mul3A_457] : memref<4x8192xi32, #tpu.memory_space<hbm>> -> memref<4x128xi32, #tpu.memory_space<hbm>>
    %dma_start3A_463 = arith.constant 0 : i32
    %dma_start3A_464 = tpu.memref_slice %arg4[%dma_start3A_463, %mul3A_457] : memref<4x8192xi32, #tpu.memory_space<hbm>> -> memref<4x128xi32, #tpu.memory_space<hbm>>
    %dma_start3A_465 = arith.constant 4 : i32
    %dma_start3A_466 = arith.constant 0 : i32
    %dma_start3A_467 = tpu.memref_slice %arg6[%dma_start3A_465, %dma_start3A_466] : memref<16x128xi32, #tpu.memory_space<vmem>> -> memref<4x128xi32, #tpu.memory_space<vmem>>
    tpu.enqueue_dma source(%dma_start3A_467 : memref<4x128xi32, #tpu.memory_space<vmem>>) target(%dma_start3A_464 : memref<4x128xi32, #tpu.memory_space<hbm>>) target_semaphore(%arg9 : memref<!tpu.dma_semaphore, #tpu.memory_space<semaphore_mem>>)
    %dma_wait3A_468 = arith.constant 8 : i32
    %dma_wait3A_469 = arith.constant 8 : i32
    %dma_wait3A_470 = arith.constant 2 : i32
    %dma_wait3A_471 = arith.constant 0 : i32
    %dma_wait3A_472 = tpu.memref_slice %arg6[%dma_wait3A_469, %dma_wait3A_471] : memref<16x128xi32, #tpu.memory_space<vmem>> -> memref<1x128xi32, #tpu.memory_space<vmem>>
    %dma_wait3A_473 = tpu.memref_squeeze %dma_wait3A_472 : memref<1x128xi32, #tpu.memory_space<vmem>> -> memref<128xi32, #tpu.memory_space<vmem>>
    %dma_wait3A_474 = arith.constant 0 : i32
    %dma_wait3A_475 = tpu.memref_slice %arg5[%dma_wait3A_468, %dma_wait3A_474] : memref<16x128xi32, #tpu.memory_space<vmem>> -> memref<1x128xi32, #tpu.memory_space<vmem>>
    %dma_wait3A_476 = tpu.memref_squeeze %dma_wait3A_475 : memref<1x128xi32, #tpu.memory_space<vmem>> -> memref<128xi32, #tpu.memory_space<vmem>>
    %dma_wait3A_477 = arith.constant 0 : i32
    %dma_wait3A_478 = tpu.memref_slice %arg3[%dma_wait3A_477] : memref<100000xi32, #tpu.memory_space<hbm>> -> memref<100000xi32, #tpu.memory_space<hbm>>
    %dma_wait3A_479 = tpu.memref_slice %arg8[%dma_wait3A_470] : memref<4x!tpu.dma_semaphore, #tpu.memory_space<semaphore_mem>> -> memref<1x!tpu.dma_semaphore, #tpu.memory_space<semaphore_mem>>
    %dma_wait3A_480 = tpu.memref_squeeze %dma_wait3A_479 : memref<1x!tpu.dma_semaphore, #tpu.memory_space<semaphore_mem>> -> memref<!tpu.dma_semaphore, #tpu.memory_space<semaphore_mem>>
    tpu.wait_indirect_dma semaphore(%dma_wait3A_480 : memref<!tpu.dma_semaphore, #tpu.memory_space<semaphore_mem>>) src(%dma_wait3A_478 : memref<100000xi32, #tpu.memory_space<hbm>>) dst(%dma_wait3A_473 : memref<128xi32, #tpu.memory_space<vmem>>)
    %dma_wait3A_481 = arith.constant 9 : i32
    %dma_wait3A_482 = arith.constant 9 : i32
    %dma_wait3A_483 = arith.constant 2 : i32
    %dma_wait3A_484 = arith.constant 0 : i32
    %dma_wait3A_485 = tpu.memref_slice %arg6[%dma_wait3A_482, %dma_wait3A_484] : memref<16x128xi32, #tpu.memory_space<vmem>> -> memref<1x128xi32, #tpu.memory_space<vmem>>
    %dma_wait3A_486 = tpu.memref_squeeze %dma_wait3A_485 : memref<1x128xi32, #tpu.memory_space<vmem>> -> memref<128xi32, #tpu.memory_space<vmem>>
    %dma_wait3A_487 = arith.constant 0 : i32
    %dma_wait3A_488 = tpu.memref_slice %arg5[%dma_wait3A_481, %dma_wait3A_487] : memref<16x128xi32, #tpu.memory_space<vmem>> -> memref<1x128xi32, #tpu.memory_space<vmem>>
    %dma_wait3A_489 = tpu.memref_squeeze %dma_wait3A_488 : memref<1x128xi32, #tpu.memory_space<vmem>> -> memref<128xi32, #tpu.memory_space<vmem>>
    %dma_wait3A_490 = arith.constant 0 : i32
    %dma_wait3A_491 = tpu.memref_slice %arg3[%dma_wait3A_490] : memref<100000xi32, #tpu.memory_space<hbm>> -> memref<100000xi32, #tpu.memory_space<hbm>>
    %dma_wait3A_492 = tpu.memref_slice %arg8[%dma_wait3A_483] : memref<4x!tpu.dma_semaphore, #tpu.memory_space<semaphore_mem>> -> memref<1x!tpu.dma_semaphore, #tpu.memory_space<semaphore_mem>>
    %dma_wait3A_493 = tpu.memref_squeeze %dma_wait3A_492 : memref<1x!tpu.dma_semaphore, #tpu.memory_space<semaphore_mem>> -> memref<!tpu.dma_semaphore, #tpu.memory_space<semaphore_mem>>
    tpu.wait_indirect_dma semaphore(%dma_wait3A_493 : memref<!tpu.dma_semaphore, #tpu.memory_space<semaphore_mem>>) src(%dma_wait3A_491 : memref<100000xi32, #tpu.memory_space<hbm>>) dst(%dma_wait3A_486 : memref<128xi32, #tpu.memory_space<vmem>>)
    %dma_wait3A_494 = arith.constant 10 : i32
    %dma_wait3A_495 = arith.constant 10 : i32
    %dma_wait3A_496 = arith.constant 2 : i32
    %dma_wait3A_497 = arith.constant 0 : i32
    %dma_wait3A_498 = tpu.memref_slice %arg6[%dma_wait3A_495, %dma_wait3A_497] : memref<16x128xi32, #tpu.memory_space<vmem>> -> memref<1x128xi32, #tpu.memory_space<vmem>>
    %dma_wait3A_499 = tpu.memref_squeeze %dma_wait3A_498 : memref<1x128xi32, #tpu.memory_space<vmem>> -> memref<128xi32, #tpu.memory_space<vmem>>
    %dma_wait3A_500 = arith.constant 0 : i32
    %dma_wait3A_501 = tpu.memref_slice %arg5[%dma_wait3A_494, %dma_wait3A_500] : memref<16x128xi32, #tpu.memory_space<vmem>> -> memref<1x128xi32, #tpu.memory_space<vmem>>
    %dma_wait3A_502 = tpu.memref_squeeze %dma_wait3A_501 : memref<1x128xi32, #tpu.memory_space<vmem>> -> memref<128xi32, #tpu.memory_space<vmem>>
    %dma_wait3A_503 = arith.constant 0 : i32
    %dma_wait3A_504 = tpu.memref_slice %arg3[%dma_wait3A_503] : memref<100000xi32, #tpu.memory_space<hbm>> -> memref<100000xi32, #tpu.memory_space<hbm>>
    %dma_wait3A_505 = tpu.memref_slice %arg8[%dma_wait3A_496] : memref<4x!tpu.dma_semaphore, #tpu.memory_space<semaphore_mem>> -> memref<1x!tpu.dma_semaphore, #tpu.memory_space<semaphore_mem>>
    %dma_wait3A_506 = tpu.memref_squeeze %dma_wait3A_505 : memref<1x!tpu.dma_semaphore, #tpu.memory_space<semaphore_mem>> -> memref<!tpu.dma_semaphore, #tpu.memory_space<semaphore_mem>>
    tpu.wait_indirect_dma semaphore(%dma_wait3A_506 : memref<!tpu.dma_semaphore, #tpu.memory_space<semaphore_mem>>) src(%dma_wait3A_504 : memref<100000xi32, #tpu.memory_space<hbm>>) dst(%dma_wait3A_499 : memref<128xi32, #tpu.memory_space<vmem>>)
    %dma_wait3A_507 = arith.constant 11 : i32
    %dma_wait3A_508 = arith.constant 11 : i32
    %dma_wait3A_509 = arith.constant 2 : i32
    %dma_wait3A_510 = arith.constant 0 : i32
    %dma_wait3A_511 = tpu.memref_slice %arg6[%dma_wait3A_508, %dma_wait3A_510] : memref<16x128xi32, #tpu.memory_space<vmem>> -> memref<1x128xi32, #tpu.memory_space<vmem>>
    %dma_wait3A_512 = tpu.memref_squeeze %dma_wait3A_511 : memref<1x128xi32, #tpu.memory_space<vmem>> -> memref<128xi32, #tpu.memory_space<vmem>>
    %dma_wait3A_513 = arith.constant 0 : i32
    %dma_wait3A_514 = tpu.memref_slice %arg5[%dma_wait3A_507, %dma_wait3A_513] : memref<16x128xi32, #tpu.memory_space<vmem>> -> memref<1x128xi32, #tpu.memory_space<vmem>>
    %dma_wait3A_515 = tpu.memref_squeeze %dma_wait3A_514 : memref<1x128xi32, #tpu.memory_space<vmem>> -> memref<128xi32, #tpu.memory_space<vmem>>
    %dma_wait3A_516 = arith.constant 0 : i32
    %dma_wait3A_517 = tpu.memref_slice %arg3[%dma_wait3A_516] : memref<100000xi32, #tpu.memory_space<hbm>> -> memref<100000xi32, #tpu.memory_space<hbm>>
    %dma_wait3A_518 = tpu.memref_slice %arg8[%dma_wait3A_509] : memref<4x!tpu.dma_semaphore, #tpu.memory_space<semaphore_mem>> -> memref<1x!tpu.dma_semaphore, #tpu.memory_space<semaphore_mem>>
    %dma_wait3A_519 = tpu.memref_squeeze %dma_wait3A_518 : memref<1x!tpu.dma_semaphore, #tpu.memory_space<semaphore_mem>> -> memref<!tpu.dma_semaphore, #tpu.memory_space<semaphore_mem>>
    tpu.wait_indirect_dma semaphore(%dma_wait3A_519 : memref<!tpu.dma_semaphore, #tpu.memory_space<semaphore_mem>>) src(%dma_wait3A_517 : memref<100000xi32, #tpu.memory_space<hbm>>) dst(%dma_wait3A_512 : memref<128xi32, #tpu.memory_space<vmem>>)
    %mul3A_520 = arith.constant 4 : i32
    %mul3A_521 = arith.muli %arg1, %mul3A_520 : i32
    %add3A_522 = arith.constant 2 : i32
    %add3A_523 = arith.addi %mul3A_521, %add3A_522 : i32
    %mul3A_524 = arith.constant 128 : i32
    %mul3A_525 = arith.muli %add3A_523, %mul3A_524 : i32
    %dma_start3A_526 = arith.constant 8 : i32
    %dma_start3A_527 = arith.constant 0 : i32
    %dma_start3A_528 = tpu.memref_slice %arg6[%dma_start3A_526, %dma_start3A_527] : memref<16x128xi32, #tpu.memory_space<vmem>> -> memref<4x128xi32, #tpu.memory_space<vmem>>
    %dma_start3A_529 = arith.constant 0 : i32
    %dma_start3A_530 = tpu.memref_slice %arg4[%dma_start3A_529, %mul3A_525] : memref<4x8192xi32, #tpu.memory_space<hbm>> -> memref<4x128xi32, #tpu.memory_space<hbm>>
    %dma_start3A_531 = arith.constant 0 : i32
    %dma_start3A_532 = tpu.memref_slice %arg4[%dma_start3A_531, %mul3A_525] : memref<4x8192xi32, #tpu.memory_space<hbm>> -> memref<4x128xi32, #tpu.memory_space<hbm>>
    %dma_start3A_533 = arith.constant 8 : i32
    %dma_start3A_534 = arith.constant 0 : i32
    %dma_start3A_535 = tpu.memref_slice %arg6[%dma_start3A_533, %dma_start3A_534] : memref<16x128xi32, #tpu.memory_space<vmem>> -> memref<4x128xi32, #tpu.memory_space<vmem>>
    tpu.enqueue_dma source(%dma_start3A_535 : memref<4x128xi32, #tpu.memory_space<vmem>>) target(%dma_start3A_532 : memref<4x128xi32, #tpu.memory_space<hbm>>) target_semaphore(%arg9 : memref<!tpu.dma_semaphore, #tpu.memory_space<semaphore_mem>>)
    %dma_wait3A_536 = arith.constant 12 : i32
    %dma_wait3A_537 = arith.constant 12 : i32
    %dma_wait3A_538 = arith.constant 3 : i32
    %dma_wait3A_539 = arith.constant 0 : i32
    %dma_wait3A_540 = tpu.memref_slice %arg6[%dma_wait3A_537, %dma_wait3A_539] : memref<16x128xi32, #tpu.memory_space<vmem>> -> memref<1x128xi32, #tpu.memory_space<vmem>>
    %dma_wait3A_541 = tpu.memref_squeeze %dma_wait3A_540 : memref<1x128xi32, #tpu.memory_space<vmem>> -> memref<128xi32, #tpu.memory_space<vmem>>
    %dma_wait3A_542 = arith.constant 0 : i32
    %dma_wait3A_543 = tpu.memref_slice %arg5[%dma_wait3A_536, %dma_wait3A_542] : memref<16x128xi32, #tpu.memory_space<vmem>> -> memref<1x128xi32, #tpu.memory_space<vmem>>
    %dma_wait3A_544 = tpu.memref_squeeze %dma_wait3A_543 : memref<1x128xi32, #tpu.memory_space<vmem>> -> memref<128xi32, #tpu.memory_space<vmem>>
    %dma_wait3A_545 = arith.constant 0 : i32
    %dma_wait3A_546 = tpu.memref_slice %arg3[%dma_wait3A_545] : memref<100000xi32, #tpu.memory_space<hbm>> -> memref<100000xi32, #tpu.memory_space<hbm>>
    %dma_wait3A_547 = tpu.memref_slice %arg8[%dma_wait3A_538] : memref<4x!tpu.dma_semaphore, #tpu.memory_space<semaphore_mem>> -> memref<1x!tpu.dma_semaphore, #tpu.memory_space<semaphore_mem>>
    %dma_wait3A_548 = tpu.memref_squeeze %dma_wait3A_547 : memref<1x!tpu.dma_semaphore, #tpu.memory_space<semaphore_mem>> -> memref<!tpu.dma_semaphore, #tpu.memory_space<semaphore_mem>>
    tpu.wait_indirect_dma semaphore(%dma_wait3A_548 : memref<!tpu.dma_semaphore, #tpu.memory_space<semaphore_mem>>) src(%dma_wait3A_546 : memref<100000xi32, #tpu.memory_space<hbm>>) dst(%dma_wait3A_541 : memref<128xi32, #tpu.memory_space<vmem>>)
    %dma_wait3A_549 = arith.constant 13 : i32
    %dma_wait3A_550 = arith.constant 13 : i32
    %dma_wait3A_551 = arith.constant 3 : i32
    %dma_wait3A_552 = arith.constant 0 : i32
    %dma_wait3A_553 = tpu.memref_slice %arg6[%dma_wait3A_550, %dma_wait3A_552] : memref<16x128xi32, #tpu.memory_space<vmem>> -> memref<1x128xi32, #tpu.memory_space<vmem>>
    %dma_wait3A_554 = tpu.memref_squeeze %dma_wait3A_553 : memref<1x128xi32, #tpu.memory_space<vmem>> -> memref<128xi32, #tpu.memory_space<vmem>>
    %dma_wait3A_555 = arith.constant 0 : i32
    %dma_wait3A_556 = tpu.memref_slice %arg5[%dma_wait3A_549, %dma_wait3A_555] : memref<16x128xi32, #tpu.memory_space<vmem>> -> memref<1x128xi32, #tpu.memory_space<vmem>>
    %dma_wait3A_557 = tpu.memref_squeeze %dma_wait3A_556 : memref<1x128xi32, #tpu.memory_space<vmem>> -> memref<128xi32, #tpu.memory_space<vmem>>
    %dma_wait3A_558 = arith.constant 0 : i32
    %dma_wait3A_559 = tpu.memref_slice %arg3[%dma_wait3A_558] : memref<100000xi32, #tpu.memory_space<hbm>> -> memref<100000xi32, #tpu.memory_space<hbm>>
    %dma_wait3A_560 = tpu.memref_slice %arg8[%dma_wait3A_551] : memref<4x!tpu.dma_semaphore, #tpu.memory_space<semaphore_mem>> -> memref<1x!tpu.dma_semaphore, #tpu.memory_space<semaphore_mem>>
    %dma_wait3A_561 = tpu.memref_squeeze %dma_wait3A_560 : memref<1x!tpu.dma_semaphore, #tpu.memory_space<semaphore_mem>> -> memref<!tpu.dma_semaphore, #tpu.memory_space<semaphore_mem>>
    tpu.wait_indirect_dma semaphore(%dma_wait3A_561 : memref<!tpu.dma_semaphore, #tpu.memory_space<semaphore_mem>>) src(%dma_wait3A_559 : memref<100000xi32, #tpu.memory_space<hbm>>) dst(%dma_wait3A_554 : memref<128xi32, #tpu.memory_space<vmem>>)
    %dma_wait3A_562 = arith.constant 14 : i32
    %dma_wait3A_563 = arith.constant 14 : i32
    %dma_wait3A_564 = arith.constant 3 : i32
    %dma_wait3A_565 = arith.constant 0 : i32
    %dma_wait3A_566 = tpu.memref_slice %arg6[%dma_wait3A_563, %dma_wait3A_565] : memref<16x128xi32, #tpu.memory_space<vmem>> -> memref<1x128xi32, #tpu.memory_space<vmem>>
    %dma_wait3A_567 = tpu.memref_squeeze %dma_wait3A_566 : memref<1x128xi32, #tpu.memory_space<vmem>> -> memref<128xi32, #tpu.memory_space<vmem>>
    %dma_wait3A_568 = arith.constant 0 : i32
    %dma_wait3A_569 = tpu.memref_slice %arg5[%dma_wait3A_562, %dma_wait3A_568] : memref<16x128xi32, #tpu.memory_space<vmem>> -> memref<1x128xi32, #tpu.memory_space<vmem>>
    %dma_wait3A_570 = tpu.memref_squeeze %dma_wait3A_569 : memref<1x128xi32, #tpu.memory_space<vmem>> -> memref<128xi32, #tpu.memory_space<vmem>>
    %dma_wait3A_571 = arith.constant 0 : i32
    %dma_wait3A_572 = tpu.memref_slice %arg3[%dma_wait3A_571] : memref<100000xi32, #tpu.memory_space<hbm>> -> memref<100000xi32, #tpu.memory_space<hbm>>
    %dma_wait3A_573 = tpu.memref_slice %arg8[%dma_wait3A_564] : memref<4x!tpu.dma_semaphore, #tpu.memory_space<semaphore_mem>> -> memref<1x!tpu.dma_semaphore, #tpu.memory_space<semaphore_mem>>
    %dma_wait3A_574 = tpu.memref_squeeze %dma_wait3A_573 : memref<1x!tpu.dma_semaphore, #tpu.memory_space<semaphore_mem>> -> memref<!tpu.dma_semaphore, #tpu.memory_space<semaphore_mem>>
    tpu.wait_indirect_dma semaphore(%dma_wait3A_574 : memref<!tpu.dma_semaphore, #tpu.memory_space<semaphore_mem>>) src(%dma_wait3A_572 : memref<100000xi32, #tpu.memory_space<hbm>>) dst(%dma_wait3A_567 : memref<128xi32, #tpu.memory_space<vmem>>)
    %dma_wait3A_575 = arith.constant 15 : i32
    %dma_wait3A_576 = arith.constant 15 : i32
    %dma_wait3A_577 = arith.constant 3 : i32
    %dma_wait3A_578 = arith.constant 0 : i32
    %dma_wait3A_579 = tpu.memref_slice %arg6[%dma_wait3A_576, %dma_wait3A_578] : memref<16x128xi32, #tpu.memory_space<vmem>> -> memref<1x128xi32, #tpu.memory_space<vmem>>
    %dma_wait3A_580 = tpu.memref_squeeze %dma_wait3A_579 : memref<1x128xi32, #tpu.memory_space<vmem>> -> memref<128xi32, #tpu.memory_space<vmem>>
    %dma_wait3A_581 = arith.constant 0 : i32
    %dma_wait3A_582 = tpu.memref_slice %arg5[%dma_wait3A_575, %dma_wait3A_581] : memref<16x128xi32, #tpu.memory_space<vmem>> -> memref<1x128xi32, #tpu.memory_space<vmem>>
    %dma_wait3A_583 = tpu.memref_squeeze %dma_wait3A_582 : memref<1x128xi32, #tpu.memory_space<vmem>> -> memref<128xi32, #tpu.memory_space<vmem>>
    %dma_wait3A_584 = arith.constant 0 : i32
    %dma_wait3A_585 = tpu.memref_slice %arg3[%dma_wait3A_584] : memref<100000xi32, #tpu.memory_space<hbm>> -> memref<100000xi32, #tpu.memory_space<hbm>>
    %dma_wait3A_586 = tpu.memref_slice %arg8[%dma_wait3A_577] : memref<4x!tpu.dma_semaphore, #tpu.memory_space<semaphore_mem>> -> memref<1x!tpu.dma_semaphore, #tpu.memory_space<semaphore_mem>>
    %dma_wait3A_587 = tpu.memref_squeeze %dma_wait3A_586 : memref<1x!tpu.dma_semaphore, #tpu.memory_space<semaphore_mem>> -> memref<!tpu.dma_semaphore, #tpu.memory_space<semaphore_mem>>
    tpu.wait_indirect_dma semaphore(%dma_wait3A_587 : memref<!tpu.dma_semaphore, #tpu.memory_space<semaphore_mem>>) src(%dma_wait3A_585 : memref<100000xi32, #tpu.memory_space<hbm>>) dst(%dma_wait3A_580 : memref<128xi32, #tpu.memory_space<vmem>>)
    %mul3A_588 = arith.constant 4 : i32
    %mul3A_589 = arith.muli %arg1, %mul3A_588 : i32
    %add3A_590 = arith.constant 3 : i32
    %add3A_591 = arith.addi %mul3A_589, %add3A_590 : i32
    %mul3A_592 = arith.constant 128 : i32
    %mul3A_593 = arith.muli %add3A_591, %mul3A_592 : i32
    %dma_start3A_594 = arith.constant 12 : i32
    %dma_start3A_595 = arith.constant 0 : i32
    %dma_start3A_596 = tpu.memref_slice %arg6[%dma_start3A_594, %dma_start3A_595] : memref<16x128xi32, #tpu.memory_space<vmem>> -> memref<4x128xi32, #tpu.memory_space<vmem>>
    %dma_start3A_597 = arith.constant 0 : i32
    %dma_start3A_598 = tpu.memref_slice %arg4[%dma_start3A_597, %mul3A_593] : memref<4x8192xi32, #tpu.memory_space<hbm>> -> memref<4x128xi32, #tpu.memory_space<hbm>>
    %dma_start3A_599 = arith.constant 0 : i32
    %dma_start3A_600 = tpu.memref_slice %arg4[%dma_start3A_599, %mul3A_593] : memref<4x8192xi32, #tpu.memory_space<hbm>> -> memref<4x128xi32, #tpu.memory_space<hbm>>
    %dma_start3A_601 = arith.constant 12 : i32
    %dma_start3A_602 = arith.constant 0 : i32
    %dma_start3A_603 = tpu.memref_slice %arg6[%dma_start3A_601, %dma_start3A_602] : memref<16x128xi32, #tpu.memory_space<vmem>> -> memref<4x128xi32, #tpu.memory_space<vmem>>
    tpu.enqueue_dma source(%dma_start3A_603 : memref<4x128xi32, #tpu.memory_space<vmem>>) target(%dma_start3A_600 : memref<4x128xi32, #tpu.memory_space<hbm>>) target_semaphore(%arg9 : memref<!tpu.dma_semaphore, #tpu.memory_space<semaphore_mem>>)
    %dma_wait3A_604 = arith.constant 0 : i32
    %dma_wait3A_605 = arith.constant 0 : i32
    %dma_wait3A_606 = tpu.memref_slice %arg6[%dma_wait3A_604, %dma_wait3A_605] : memref<16x128xi32, #tpu.memory_space<vmem>> -> memref<4x128xi32, #tpu.memory_space<vmem>>
    %dma_wait3A_607 = arith.constant 0 : i32
    %dma_wait3A_608 = tpu.memref_slice %arg4[%dma_wait3A_607, %mul3A_389] : memref<4x8192xi32, #tpu.memory_space<hbm>> -> memref<4x128xi32, #tpu.memory_space<hbm>>
    %dma_wait3A_609 = arith.constant 0 : i32
    %dma_wait3A_610 = tpu.memref_slice %arg4[%dma_wait3A_609, %mul3A_389] : memref<4x8192xi32, #tpu.memory_space<hbm>> -> memref<4x128xi32, #tpu.memory_space<hbm>>
    %dma_wait3A_611 = arith.constant 0 : i32
    %dma_wait3A_612 = arith.constant 0 : i32
    %dma_wait3A_613 = tpu.memref_slice %arg6[%dma_wait3A_611, %dma_wait3A_612] : memref<16x128xi32, #tpu.memory_space<vmem>> -> memref<4x128xi32, #tpu.memory_space<vmem>>
    tpu.wait_dma2 semaphore(%arg9 : memref<!tpu.dma_semaphore, #tpu.memory_space<semaphore_mem>>) src(%dma_wait3A_613 : memref<4x128xi32, #tpu.memory_space<vmem>>) dst(%dma_wait3A_610 : memref<4x128xi32, #tpu.memory_space<hbm>>)
    %dma_wait3A_614 = arith.constant 4 : i32
    %dma_wait3A_615 = arith.constant 0 : i32
    %dma_wait3A_616 = tpu.memref_slice %arg6[%dma_wait3A_614, %dma_wait3A_615] : memref<16x128xi32, #tpu.memory_space<vmem>> -> memref<4x128xi32, #tpu.memory_space<vmem>>
    %dma_wait3A_617 = arith.constant 0 : i32
    %dma_wait3A_618 = tpu.memref_slice %arg4[%dma_wait3A_617, %mul3A_457] : memref<4x8192xi32, #tpu.memory_space<hbm>> -> memref<4x128xi32, #tpu.memory_space<hbm>>
    %dma_wait3A_619 = arith.constant 0 : i32
    %dma_wait3A_620 = tpu.memref_slice %arg4[%dma_wait3A_619, %mul3A_457] : memref<4x8192xi32, #tpu.memory_space<hbm>> -> memref<4x128xi32, #tpu.memory_space<hbm>>
    %dma_wait3A_621 = arith.constant 4 : i32
    %dma_wait3A_622 = arith.constant 0 : i32
    %dma_wait3A_623 = tpu.memref_slice %arg6[%dma_wait3A_621, %dma_wait3A_622] : memref<16x128xi32, #tpu.memory_space<vmem>> -> memref<4x128xi32, #tpu.memory_space<vmem>>
    tpu.wait_dma2 semaphore(%arg9 : memref<!tpu.dma_semaphore, #tpu.memory_space<semaphore_mem>>) src(%dma_wait3A_623 : memref<4x128xi32, #tpu.memory_space<vmem>>) dst(%dma_wait3A_620 : memref<4x128xi32, #tpu.memory_space<hbm>>)
    %dma_wait3A_624 = arith.constant 8 : i32
    %dma_wait3A_625 = arith.constant 0 : i32
    %dma_wait3A_626 = tpu.memref_slice %arg6[%dma_wait3A_624, %dma_wait3A_625] : memref<16x128xi32, #tpu.memory_space<vmem>> -> memref<4x128xi32, #tpu.memory_space<vmem>>
    %dma_wait3A_627 = arith.constant 0 : i32
    %dma_wait3A_628 = tpu.memref_slice %arg4[%dma_wait3A_627, %mul3A_525] : memref<4x8192xi32, #tpu.memory_space<hbm>> -> memref<4x128xi32, #tpu.memory_space<hbm>>
    %dma_wait3A_629 = arith.constant 0 : i32
    %dma_wait3A_630 = tpu.memref_slice %arg4[%dma_wait3A_629, %mul3A_525] : memref<4x8192xi32, #tpu.memory_space<hbm>> -> memref<4x128xi32, #tpu.memory_space<hbm>>
    %dma_wait3A_631 = arith.constant 8 : i32
    %dma_wait3A_632 = arith.constant 0 : i32
    %dma_wait3A_633 = tpu.memref_slice %arg6[%dma_wait3A_631, %dma_wait3A_632] : memref<16x128xi32, #tpu.memory_space<vmem>> -> memref<4x128xi32, #tpu.memory_space<vmem>>
    tpu.wait_dma2 semaphore(%arg9 : memref<!tpu.dma_semaphore, #tpu.memory_space<semaphore_mem>>) src(%dma_wait3A_633 : memref<4x128xi32, #tpu.memory_space<vmem>>) dst(%dma_wait3A_630 : memref<4x128xi32, #tpu.memory_space<hbm>>)
    %dma_wait3A_634 = arith.constant 12 : i32
    %dma_wait3A_635 = arith.constant 0 : i32
    %dma_wait3A_636 = tpu.memref_slice %arg6[%dma_wait3A_634, %dma_wait3A_635] : memref<16x128xi32, #tpu.memory_space<vmem>> -> memref<4x128xi32, #tpu.memory_space<vmem>>
    %dma_wait3A_637 = arith.constant 0 : i32
    %dma_wait3A_638 = tpu.memref_slice %arg4[%dma_wait3A_637, %mul3A_593] : memref<4x8192xi32, #tpu.memory_space<hbm>> -> memref<4x128xi32, #tpu.memory_space<hbm>>
    %dma_wait3A_639 = arith.constant 0 : i32
    %dma_wait3A_640 = tpu.memref_slice %arg4[%dma_wait3A_639, %mul3A_593] : memref<4x8192xi32, #tpu.memory_space<hbm>> -> memref<4x128xi32, #tpu.memory_space<hbm>>
    %dma_wait3A_641 = arith.constant 12 : i32
    %dma_wait3A_642 = arith.constant 0 : i32
    %dma_wait3A_643 = tpu.memref_slice %arg6[%dma_wait3A_641, %dma_wait3A_642] : memref<16x128xi32, #tpu.memory_space<vmem>> -> memref<4x128xi32, #tpu.memory_space<vmem>>
    tpu.wait_dma2 semaphore(%arg9 : memref<!tpu.dma_semaphore, #tpu.memory_space<semaphore_mem>>) src(%dma_wait3A_643 : memref<4x128xi32, #tpu.memory_space<vmem>>) dst(%dma_wait3A_640 : memref<4x128xi32, #tpu.memory_space<hbm>>)
    return
  }
}

</mosaic_0001>

<sc_bundles>
// kernel: _router_gather.3.cloned.1.call-start
scs
__scs_entry_jumppad:
0x0: {  	(pc) =	sbr.rel $0x88, $3  }
0x1: {  	(tag) =	ssettag $0x0;
	lr =	simm.s32 $0x1  }
0x2: {  	[smem:$0x3F9F] =	sst lr;
	_ =	strace $0xD0000000  }
0x3: {  	_ = 	snop  }
0x4: {  	_ = 	snop  }
0x5: {  	_ = 	snop  }
0x6: {  	_ = 	snop  }
0x7: {  	_ = 	snop  }
__scs_overlays_trampoline_lowered:
0x8: {  	[smem:$0x3FAE] =	sst s0  }
0x9: {  	[smem:$0x3FAF] =	sst s1  }
0xa: {  	[smem:$0x3FB0] =	sst s2  }
0xb: {  	[smem:$0x3FB1] =	sst s3  }
0xc: {  	[smem:$0x3FB2] =	sst s4  }
0xd: {  	[smem:$0x3FB3] =	sst s5  }
0xe: {  	[smem:$0x3FB4] =	sst s6  }
0xf: {  	[smem:$0x3FB5] =	sst s7  }
0x10: {  	[smem:$0x3FB6] =	sst s8  }
0x11: {  	[smem:$0x3FB7] =	sst s9;
	s0 =	simm.s32 @!p0 $0x0  }
0x12: {  	s1 =	sld [smem:$0x3F9D];
	s0 =	simm.s32 @p0 $0x1  }
0x13: {  	[smem:$0x3FB8] =	sst s0;
	s0 =	simm.s32 @!p1 $0x0  }
0x14: {  	s2 =	sld [smem:$0x3F9C];
	s0 =	simm.s32 @p1 $0x1  }
0x15: {  	[smem:$0x3FB9] =	sst s0;
	s0 =	simm.s32 @!p2 $0x0  }
0x16: {  	s3 =	sld [smem:$0x3FDB];
	s0 =	simm.s32 @p2 $0x1  }
0x17: {  	s4 =	simm.s32 $0x1BF5;
	[smem:$0x3FBB] =	sst s0  }
0x18: {  	s0 =	sld [smem:$0x3F9E];
	_ =	swait.ge [sflag:s4], $0x0  }
0x19: {  	s7 =	sld [smem:$0x3F9F]  }
0x1a: {  	s8 =	sadd.s32 $0xFFFFE003, lr  }
0x1b: {  	s9 =	sadd.s32 $0xFFFFFEF7, lr;
	s5 =	simm.s32 $0xFFFFFFFF;
	p2 =	slt.u32 s8, $0xFFFFF086  }
0x1c: {  	p1 =	slt.u32 s9, $0xF7A;
	s5 =	simm.s32 @!p2 $0x0  }
0x1d: {  	s5 =	simm.s32 @p1 $0x1;
	p0 =	seq.s32 s7, s2  }
0x1e: {  	s7 =	smul.u32 @!p0 $0xF7A, s2;
	p2 =	seq.s32 @!p0 s5, $0x0  }
0x1f: {  	s9 =	smul.u32 $0xF7A, s1;
	s8 =	simm.s32 @!p0 $0x1BF5;
	p2 =	por !p2, p0  }
0x20: {  	[sflag:s8] =	ssyncset.s32 @!p0 $0xFFFFF086;
	s6 =	sadd.s32 @!p0 s3, s7;
	s7 =	simm.s32 @!p0 $0x108  }
0x21: {  	s3 =	sadd.s32 s3, s9;
	s6 =	sadd.s32 @!p0 $0x88, s6;
	s7 =	simm.s32 @p2 $0x1082  }
0x22: {  	[simem:s7], [sflag:s8] =	dma.local @!p0 [hbm:s6], $0xF7A  }
0x23: {  	s9 =	sor.u32 $0xD0000000, s2;
	s6 =	simm.s32 $0x108;
	_ =	swait.ge @!p0 [sflag:s8], $0x0  }
0x24: {  	s3 =	sadd.s32 $0x88, s3;
	s6 =	simm.s32 @!p1 $0x1082;
	[sflag:s4] =	ssyncset.s32 $0xFFFFF086  }
0x25: {  	[simem:s6], [sflag:s4] =	dma.local [hbm:s3], $0xF7A  }
0x26: {  	[smem:$0x3F9F] =	sst s1;
	(tag) =	ssettag s2;
	_ =	strace s9  }
0x27: {  	s1 =	sld [smem:$0x3FAF]  }
0x28: {  	s2 =	sld [smem:$0x3FB0]  }
0x29: {  	s4 =	sld [smem:$0x3FB2]  }
0x2a: {  	p0 =	seq.s32 s5, $0x0;
	s5 =	sld [smem:$0x3FB3]  }
0x2b: {  	s6 =	sld [smem:$0x3FB4]  }
0x2c: {  	s7 =	sld [smem:$0x3FB5]  }
0x2d: {  	s3 =	simm.s32 $0x108;
	s8 =	sld [smem:$0x3FB6]  }
0x2e: {  	s3 =	simm.s32 @!p0 $0x1082;
	s9 =	sld [smem:$0x3FB7]  }
0x2f: {  	lr =	sadd.s32 s0, s3;
	s0 =	sld [smem:$0x3FAE]  }
0x30: {  	s3 =	sld [smem:$0x3FB1]  }
0x31: {  	[smem:$0x3FBA] =	sst s10  }
0x32: {  	s10 =	sld [smem:$0x3FB8];
	_ =	sdelay $0x3  }
0x33: {  	p0 =	seq.s32 s10, $0x1;
	s10 =	sld [smem:$0x3FBA];
	_ =	sdelay $0x3  }
0x34: {  	[smem:$0x3FBA] =	sst s10  }
0x35: {  	s10 =	sld [smem:$0x3FB9];
	_ =	sdelay $0x3  }
0x36: {  	p1 =	seq.s32 s10, $0x1;
	s10 =	sld [smem:$0x3FBA];
	_ =	sdelay $0x3  }
0x37: {  	[smem:$0x3FBA] =	sst s10  }
0x38: {  	s10 =	sld [smem:$0x3FBB]  }
0x39: {  	_ = 	snop;
	(pc) =	sbr.ind lr, $3  }
0x3a: {  	_ = 	snop  }
0x3b: {  	_ = 	snop  }
0x3c: {  	p2 =	seq.s32 s10, $0x1;
	s10 =	sld [smem:$0x3FBA]  }
0x3d: {  	_ =	shalt  }
0x3e: {  	_ =	shalt  }
0x3f: {  	_ =	shalt  }
0x40: {  	_ =	shalt  }
0x41: {  	_ =	shalt  }
0x42: {  	_ =	shalt  }
0x43: {  	_ =	shalt  }
0x44: {  	_ =	shalt  }
0x45: {  	_ =	shalt  }
0x46: {  	_ =	shalt  }
0x47: {  	_ =	shalt  }
0x48: {  	_ =	shalt  }
0x49: {  	_ =	shalt  }
0x4a: {  	_ =	shalt  }
0x4b: {  	_ =	shalt  }
0x4c: {  	_ =	shalt  }
0x4d: {  	_ =	shalt  }
0x4e: {  	_ =	shalt  }
0x4f: {  	_ =	shalt  }
0x50: {  	_ =	shalt  }
0x51: {  	_ =	shalt  }
0x52: {  	_ =	shalt  }
0x53: {  	_ =	shalt  }
0x54: {  	_ =	shalt  }
0x55: {  	_ =	shalt  }
0x56: {  	_ =	shalt  }
0x57: {  	_ =	shalt  }
0x58: {  	_ =	shalt  }
0x59: {  	_ =	shalt  }
0x5a: {  	_ =	shalt  }
0x5b: {  	_ =	shalt  }
0x5c: {  	_ =	shalt  }
0x5d: {  	_ =	shalt  }
0x5e: {  	_ =	shalt  }
0x5f: {  	_ =	shalt  }
0x60: {  	_ =	shalt  }
0x61: {  	_ =	shalt  }
0x62: {  	_ =	shalt  }
0x63: {  	_ =	shalt  }
0x64: {  	_ =	shalt  }
0x65: {  	_ =	shalt  }
0x66: {  	_ =	shalt  }
0x67: {  	_ =	shalt  }
0x68: {  	_ =	shalt  }
0x69: {  	_ =	shalt  }
0x6a: {  	_ =	shalt  }
0x6b: {  	_ =	shalt  }
0x6c: {  	_ =	shalt  }
0x6d: {  	_ =	shalt  }
0x6e: {  	_ =	shalt  }
0x6f: {  	_ =	shalt  }
0x70: {  	_ =	shalt  }
0x71: {  	_ =	shalt  }
0x72: {  	_ =	shalt  }
0x73: {  	_ =	shalt  }
0x74: {  	_ =	shalt  }
0x75: {  	_ =	shalt  }
0x76: {  	_ =	shalt  }
0x77: {  	_ =	shalt  }
0x78: {  	_ =	shalt  }
0x79: {  	_ =	shalt  }
0x7a: {  	_ =	shalt  }
0x7b: {  	_ =	shalt  }
0x7c: {  	_ =	shalt  }
0x7d: {  	_ =	shalt  }
0x7e: {  	_ =	shalt  }
0x7f: {  	_ =	shalt  }
0x80: {  	_ =	shalt  }
0x81: {  	_ =	shalt  }
0x82: {  	_ =	shalt  }
0x83: {  	_ =	shalt  }
0x84: {  	_ =	shalt  }
0x85: {  	_ =	shalt  }
0x86: {  	_ =	shalt  }
0x87: {  	_ =	shalt  }
.Lfunc_end0:
.L_simem_size_0:
called_computation_lowered:
.L_overlay_start_0:
0x88: {  	s0 =	sld [smem:$0x3FD9]  }
0x89: {  	s1 =	sld [smem:$0x3FFE];
	_ =	sdelay $0x3  }
0x8a: {  	s0 =	sadd.s32 s1, s0  }
0x8b: {  	[smem:$0x3FC6] =	sst s0  }
0x8c: {  	_ = 	snop  }
0x8d: {  	s0 =	sld [smem:$0x3FC9]  }
0x8e: {  	s17 =	sld [smem:$0x3FC8]  }
0x8f: {  	s2 =	sld [smem:$0x3FD0];
	(tm) =	ssettm $0x1  }
0x90: {  	s3 =	sld [smem:$0x3FFB];
	_ =	sdelay $0x3  }
0x91: {  	_ =	strace s3  }
0x92: {  	s3 =	sld [smem:$0x3FFC];
	_ =	sdelay $0x3  }
0x93: {  	_ =	strace s3  }
0x94: {  	s3 =	sld [smem:$0x3FFD];
	_ =	sdelay $0x3  }
0x95: {  	_ =	strace s3  }
0x96: {  	_ =	strace $0x8FFFFFFF  }
0x97: {  	s18 =	sld [smem:$0x3FDB];
	_ =	sdelay $0x1  }
0x98: {  	s4 =	simm.s32 $_scs_section_size  }
0x99: {  	s5 =	simm.s32 $_size__tile_overlayer_lowered;
	s6 =	simm.s32 $_tile_overlayer_lowered  }
0x9a: {  	s21 =	simm.s32 $0x1BFF;
	s20 =	sshll.u32 s6, $0x1;
	s3 =	sadd.s32 s4, s18  }
0x9b: {  	s7 =	simm.s32 $0x0;
	s19 =	sshll.u32 s5, $0x1;
	s5 =	sadd.s32 s20, s3  }
0x9c: {  	[timem:s7], [sflag:s21] =	dma.local [hbm:s5], s19  }
0x9d: {  	_ =	swait.ge [sflag:s21], s19  }
0x9e: {  	s4 =	ssub.s32 $0x0, s19;
	[sflag:s21] =	ssyncset.done $0x0  }
0x9f: {  	[sflag:s21] =	ssyncadd.s32 s4;
	_ =	sdelay $0x1  }
0xa0: {  	s22 =	simm.s32 $0x1B8B  }
0xa1: {  	_ =	swait.ge [sflag:s22], $0x1  }
0xa2: {  	[sflag:s22] =	ssyncset.done $0x0  }
0xa3: {  	s23 =	simm.s32 $0x1B8E;
	[sflag:s22] =	ssyncadd.s32 $0xFFFFFFFF  }
0xa4: {  	s24 =	simm.s32 $execute0_lowered;
	[smem:$0x3FD2] =	sst s23  }
0xa5: {  	s4 =	sshll.u32 s24, $0x1;
	_ =	strace $0x80000046;
	[dreg:$0x1] =	wrdreg $0xFFFFFFFF  }
0xa6: {  	s25 =	simm.s32 $_size_execute0_lowered;
	s3 =	sadd.s32 s3, s4;
	[dreg:$0x0] =	wrdreg $0x0  }
0xa7: {  	s4 =	sshll.u32 s25, $0x1;
	[dreg:$0x2] =	wrdreg s3  }
0xa8: {  	[dreg:$0x3] =	wrdreg s4  }
0xa9: {  	[dreg:$0x4] =	wrdreg $0xC0  }
0xaa: {  	_ =	task [dreg:s7], $0x5FFFF  }
0xab: {  	[dreg:$0x1] =	wrdreg $0xFFFFFFFF  }
0xac: {  	[dreg:$0x0] =	wrdreg $0x60  }
0xad: {  	[dreg:$0x2] =	wrdreg s0  }
0xae: {  	[dreg:$0x3] =	wrdreg s17  }
0xaf: {  	[dreg:$0x4] =	wrdreg s2  }
0xb0: {  	[dreg:$0x5] =	wrdreg $0x9  }
0xb1: {  	_ =	task.clear_ibuf [dreg:s7], $0x6FFFF;
	_ =	strace $0x90000046  }
0xb2: {  	s26 =	simm.s32 $0x9;
	_ =	strace $0x80000048  }
0xb3: {  	_ =	swait.ge [sflag:s26], $0x1  }
0xb4: {  	[sflag:s26] =	ssyncadd.s32 $0xFFFFFFFF  }
0xb5: {  	_ =	strace $0x90000048  }
0xb6: {  	_ =	sfence  }
0xb7: {  	s28 =	sld [smem:$0x0];
	_ =	sdelay $0x1  }
0xb8: {  	s29 =	srdreg.scid  }
0xb9: {  	s30 =	sshll.u32 s29, $0xD;
	s31 =	sshrl.u32 s29, $0x2  }
0xba: {  	s1 =	sand.u32 $0x1, s29;
	s2 =	sand.u32 $0x4000, s30;
	s0 =	sadd.s32 s31, s28  }
0xbb: {  	s1 =	sor.u32 s2, s1;
	s0 =	sshll.u32 s0, $0x11  }
0xbc: {  	s0 =	sor.u32 s0, s1  }
0xbd: {  	s0 =	sadd.s32 $0x8F2B, s0  }
0xbe: {  	[sflag:s0] =	ssyncadd.remote.s32 $0x1  }
0xbf: {  	_ =	sfence.sel $0xFFFF  }
0xc0: {  	[dreg:$0x0] =	wrdreg $0xFFFFFFFF;
	(pc) =	sbr.abs _section_cstart, $3  }
0xc1: {  	[dreg:$0x1] =	wrdreg $0xFFFFFFFF  }
0xc2: {  	_ =	task.clear_ibuf [dreg:s7], $0x2FFFF;
	_ =	strace $0x9FFFFFFF  }
0xc3: {  	(tm) =	ssettm $0x7FFFFFFF  }
tec
execute0_lowered:
.L_overlay_start_1:
0x0: {  	(tag) =	ssettag $0x1  }
0x1: {  	s9 =	rddreg [dreg:$0x0]  }
0x2: {  	s8 =	rddreg [dreg:$0x1]  }
0x3: {  	s2 =	rddreg [dreg:$0x2]  }
0x4: {  	s0 =	rddreg [dreg:$0x3];
	s3 =	simm.s32 $0x0;
	s1 =	stileid.u32  }
0x5: {  	[smem:$0x7FF] =	sst s3;
	s7 =	sshll.u32 s1, $0x8  }
0x6: {  	_ =	strace $0x80000047;
	s4 =	sadd.s32 s9, s7;
	s6 =	sor.u32 $0x40, s7  }
0x7: {  	[tilespmem:s3], [sflag:$0x1] =	stream.linear.gather [hbm4b:s4+s3], $0x200, $0x38;
	[tilespmem:$0x1000] =	vst v63  }
0x8: {  	s10 =	simm.s32 $0x200;
	s5 =	sor.u32 $0x80, s7;
	s29 =	sadd.s32 s9, s6  }
0x9: {  	[tilespmem:s10], [sflag:$0x2] =	stream.linear.gather [hbm4b:s29+s3], $0x200, $0x38;
	[tilespmem:$0x1000] =	vst v63  }
0xa: {  	s13 =	simm.s32 $0x400;
	s11 =	sadd.s32 s9, s5;
	s4 =	sor.u32 $0xC0, s7  }
0xb: {  	[tilespmem:s13], [sflag:$0x3] =	stream.linear.gather [hbm4b:s11+s3], $0x200, $0x38;
	[tilespmem:$0x1000] =	vst v63  }
0xc: {  	s14 =	simm.s32 $0x600;
	s30 =	simm.s32 $0x1;
	s9 =	sadd.s32 s9, s4  }
0xd: {  	[tilespmem:s14], [sflag:$0x4] =	stream.linear.gather [hbm4b:s9+s3], $0x200, $0x38;
	[tilespmem:$0x1000] =	vst v63  }
0xe: {  	_ =	swait.ge [sflag:s30], $0x200  }
0xf: {  	[sflag:s30] =	ssyncset.done $0x0  }
0x10: {  	s15 =	simm.s32 $0x80;
	s12 =	simm.s32 $0x800;
	[sflag:s30] =	ssyncadd.s32 $0xFFFFFE00  }
0x11: {  	[tilespmem:s12], [sflag:$0x5] =	stream.indirect.gather [hbm4b:s8+s15], $0x1, s3, s15, $0xb8;
	[tilespmem:$0x1000] =	vst v63  }
0x12: {  	s31 =	simm.s32 $0x880  }
0x13: {  	[tilespmem:s31], [sflag:$0x5] =	stream.indirect.gather [hbm4b:s8+s15], $0x1, s15, s15, $0xb8;
	[tilespmem:$0x1000] =	vst v63  }
0x14: {  	s16 =	simm.s32 $0x900;
	s11 =	simm.s32 $0x100  }
0x15: {  	[tilespmem:s16], [sflag:$0x5] =	stream.indirect.gather [hbm4b:s8+s15], $0x1, s11, s15, $0xb8;
	[tilespmem:$0x1000] =	vst v63  }
0x16: {  	s17 =	simm.s32 $0x180;
	s18 =	simm.s32 $0x980;
	s19 =	simm.s32 $0x2  }
0x17: {  	[tilespmem:s18], [sflag:$0x5] =	stream.indirect.gather [hbm4b:s8+s15], $0x1, s17, s15, $0xb8;
	[tilespmem:$0x1000] =	vst v63  }
0x18: {  	_ =	swait.ge [sflag:s19], $0x200  }
0x19: {  	[sflag:s19] =	ssyncset.done $0x0  }
0x1a: {  	s9 =	simm.s32 $0xA00;
	[sflag:s19] =	ssyncadd.s32 $0xFFFFFE00  }
0x1b: {  	[tilespmem:s9], [sflag:$0x6] =	stream.indirect.gather [hbm4b:s8+s15], $0x1, s10, s15, $0xb8;
	[tilespmem:$0x1000] =	vst v63  }
0x1c: {  	s20 =	simm.s32 $0x280;
	s21 =	simm.s32 $0xA80  }
0x1d: {  	[tilespmem:s21], [sflag:$0x6] =	stream.indirect.gather [hbm4b:s8+s15], $0x1, s20, s15, $0xb8;
	[tilespmem:$0x1000] =	vst v63  }
0x1e: {  	s22 =	simm.s32 $0x300;
	s23 =	simm.s32 $0xB00  }
0x1f: {  	[tilespmem:s23], [sflag:$0x6] =	stream.indirect.gather [hbm4b:s8+s15], $0x1, s22, s15, $0xb8;
	[tilespmem:$0x1000] =	vst v63  }
0x20: {  	s24 =	simm.s32 $0x380;
	s25 =	simm.s32 $0xB80;
	s26 =	simm.s32 $0x3  }
0x21: {  	[tilespmem:s25], [sflag:$0x6] =	stream.indirect.gather [hbm4b:s8+s15], $0x1, s24, s15, $0xb8;
	[tilespmem:$0x1000] =	vst v63  }
0x22: {  	_ =	swait.ge [sflag:s26], $0x200  }
0x23: {  	[sflag:s26] =	ssyncset.done $0x0  }
0x24: {  	s10 =	simm.s32 $0xC00;
	[sflag:s26] =	ssyncadd.s32 $0xFFFFFE00  }
0x25: {  	[tilespmem:s10], [sflag:$0x7] =	stream.indirect.gather [hbm4b:s8+s15], $0x1, s13, s15, $0xb8;
	[tilespmem:$0x1000] =	vst v63  }
0x26: {  	s28 =	simm.s32 $0x480;
	s29 =	simm.s32 $0xC80  }
0x27: {  	[tilespmem:s29], [sflag:$0x7] =	stream.indirect.gather [hbm4b:s8+s15], $0x1, s28, s15, $0xb8;
	[tilespmem:$0x1000] =	vst v63  }
0x28: {  	s30 =	simm.s32 $0x500;
	s31 =	simm.s32 $0xD00  }
0x29: {  	[tilespmem:s31], [sflag:$0x7] =	stream.indirect.gather [hbm4b:s8+s15], $0x1, s30, s15, $0xb8;
	[tilespmem:$0x1000] =	vst v63  }
0x2a: {  	s16 =	simm.s32 $0x580;
	s17 =	simm.s32 $0xD80;
	s18 =	simm.s32 $0x4  }
0x2b: {  	[tilespmem:s17], [sflag:$0x7] =	stream.indirect.gather [hbm4b:s8+s15], $0x1, s16, s15, $0xb8;
	[tilespmem:$0x1000] =	vst v63  }
0x2c: {  	_ =	swait.ge [sflag:s18], $0x200  }
0x2d: {  	[sflag:s18] =	ssyncset.done $0x0  }
0x2e: {  	s19 =	simm.s32 $0xE00;
	[sflag:s18] =	ssyncadd.s32 $0xFFFFFE00  }
0x2f: {  	[tilespmem:s19], [sflag:$0x8] =	stream.indirect.gather [hbm4b:s8+s15], $0x1, s14, s15, $0xb8;
	[tilespmem:$0x1000] =	vst v63  }
0x30: {  	s20 =	simm.s32 $0x680;
	s21 =	simm.s32 $0xE80  }
0x31: {  	[tilespmem:s21], [sflag:$0x8] =	stream.indirect.gather [hbm4b:s8+s15], $0x1, s20, s15, $0xb8;
	[tilespmem:$0x1000] =	vst v63  }
0x32: {  	s22 =	simm.s32 $0x700;
	s23 =	simm.s32 $0xF00  }
0x33: {  	[tilespmem:s23], [sflag:$0x8] =	stream.indirect.gather [hbm4b:s8+s15], $0x1, s22, s15, $0xb8;
	[tilespmem:$0x1000] =	vst v63  }
0x34: {  	s24 =	simm.s32 $0x780;
	s25 =	simm.s32 $0xF80;
	s26 =	simm.s32 $0x5  }
0x35: {  	[tilespmem:s25], [sflag:$0x8] =	stream.indirect.gather [hbm4b:s8+s15], $0x1, s24, s15, $0xb8;
	[tilespmem:$0x1000] =	vst v63  }
0x36: {  	_ =	swait.ge [sflag:s26], $0x80  }
0x37: {  	[sflag:s26] =	ssyncset.done $0x0  }
0x38: {  	[sflag:s26] =	ssyncadd.s32 $0xFFFFFF80  }
0x39: {  	_ =	swait.ge [sflag:s26], $0x80  }
0x3a: {  	[sflag:s26] =	ssyncset.done $0x0  }
0x3b: {  	[sflag:s26] =	ssyncadd.s32 $0xFFFFFF80  }
0x3c: {  	_ =	swait.ge [sflag:s26], $0x80  }
0x3d: {  	[sflag:s26] =	ssyncset.done $0x0  }
0x3e: {  	[sflag:s26] =	ssyncadd.s32 $0xFFFFFF80  }
0x3f: {  	_ =	swait.ge [sflag:s26], $0x80  }
0x40: {  	[sflag:s26] =	ssyncset.done $0x0  }
0x41: {  	s7 =	sadd.s32 s2, s7;
	s28 =	simm.s32 $0x6;
	[sflag:s26] =	ssyncadd.s32 $0xFFFFFF80  }
0x42: {  	[hbm4b:s7+s3] =	stream.linear.scatter [tilespmem:s12], [sflag:$0x9], $0x200, $0x38;
	[tilespmem:$0x1000] =	vst v63  }
0x43: {  	_ =	swait.ge [sflag:s28], $0x80  }
0x44: {  	[sflag:s28] =	ssyncset.done $0x0  }
0x45: {  	[sflag:s28] =	ssyncadd.s32 $0xFFFFFF80  }
0x46: {  	_ =	swait.ge [sflag:s28], $0x80  }
0x47: {  	[sflag:s28] =	ssyncset.done $0x0  }
0x48: {  	[sflag:s28] =	ssyncadd.s32 $0xFFFFFF80  }
0x49: {  	_ =	swait.ge [sflag:s28], $0x80  }
0x4a: {  	[sflag:s28] =	ssyncset.done $0x0  }
0x4b: {  	[sflag:s28] =	ssyncadd.s32 $0xFFFFFF80  }
0x4c: {  	_ =	swait.ge [sflag:s28], $0x80  }
0x4d: {  	[sflag:s28] =	ssyncset.done $0x0  }
0x4e: {  	s6 =	sadd.s32 s2, s6;
	s29 =	simm.s32 $0x7;
	[sflag:s28] =	ssyncadd.s32 $0xFFFFFF80  }
0x4f: {  	[hbm4b:s6+s3] =	stream.linear.scatter [tilespmem:s9], [sflag:$0x9], $0x200, $0x38;
	[tilespmem:$0x1000] =	vst v63  }
0x50: {  	_ =	swait.ge [sflag:s29], $0x80  }
0x51: {  	[sflag:s29] =	ssyncset.done $0x0  }
0x52: {  	[sflag:s29] =	ssyncadd.s32 $0xFFFFFF80  }
0x53: {  	_ =	swait.ge [sflag:s29], $0x80  }
0x54: {  	[sflag:s29] =	ssyncset.done $0x0  }
0x55: {  	[sflag:s29] =	ssyncadd.s32 $0xFFFFFF80  }
0x56: {  	_ =	swait.ge [sflag:s29], $0x80  }
0x57: {  	[sflag:s29] =	ssyncset.done $0x0  }
0x58: {  	[sflag:s29] =	ssyncadd.s32 $0xFFFFFF80  }
0x59: {  	_ =	swait.ge [sflag:s29], $0x80  }
0x5a: {  	[sflag:s29] =	ssyncset.done $0x0  }
0x5b: {  	s5 =	sadd.s32 s2, s5;
	s30 =	simm.s32 $0x8;
	[sflag:s29] =	ssyncadd.s32 $0xFFFFFF80  }
0x5c: {  	[hbm4b:s5+s3] =	stream.linear.scatter [tilespmem:s10], [sflag:$0x9], $0x200, $0x38;
	[tilespmem:$0x1000] =	vst v63  }
0x5d: {  	_ =	swait.ge [sflag:s30], $0x80  }
0x5e: {  	[sflag:s30] =	ssyncset.done $0x0  }
0x5f: {  	[sflag:s30] =	ssyncadd.s32 $0xFFFFFF80  }
0x60: {  	_ =	swait.ge [sflag:s30], $0x80  }
0x61: {  	[sflag:s30] =	ssyncset.done $0x0  }
0x62: {  	[sflag:s30] =	ssyncadd.s32 $0xFFFFFF80  }
0x63: {  	_ =	swait.ge [sflag:s30], $0x80  }
0x64: {  	[sflag:s30] =	ssyncset.done $0x0  }
0x65: {  	[sflag:s30] =	ssyncadd.s32 $0xFFFFFF80  }
0x66: {  	_ =	swait.ge [sflag:s30], $0x80  }
0x67: {  	[sflag:s30] =	ssyncset.done $0x0  }
0x68: {  	s2 =	sadd.s32 s2, s4;
	s31 =	simm.s32 $0x9;
	[sflag:s30] =	ssyncadd.s32 $0xFFFFFF80  }
0x69: {  	[hbm4b:s2+s3] =	stream.linear.scatter [tilespmem:s19], [sflag:$0x9], $0x200, $0x38;
	[tilespmem:$0x1000] =	vst v63  }
0x6a: {  	_ =	swait.ge [sflag:s31], $0x200  }
0x6b: {  	[sflag:s31] =	ssyncset.done $0x0  }
0x6c: {  	[sflag:s31] =	ssyncadd.s32 $0xFFFFFE00  }
0x6d: {  	_ =	swait.ge [sflag:s31], $0x200  }
0x6e: {  	[sflag:s31] =	ssyncset.done $0x0  }
0x6f: {  	[sflag:s31] =	ssyncadd.s32 $0xFFFFFE00  }
0x70: {  	_ =	swait.ge [sflag:s31], $0x200  }
0x71: {  	[sflag:s31] =	ssyncset.done $0x0  }
0x72: {  	[sflag:s31] =	ssyncadd.s32 $0xFFFFFE00  }
0x73: {  	_ =	swait.ge [sflag:s31], $0x200  }
0x74: {  	[sflag:s31] =	ssyncset.done $0x0  }
0x75: {  	[sflag:s31] =	ssyncadd.s32 $0xFFFFFE00  }
0x76: {  	_ =	sfence.sel $0x180000  }
0x77: {  	[bflag:$0x0] =	sbarrier.arrive $0xFFFF  }
0x78: {  	p0 =	sne.s32 s1, $0x0;
	_ =	strace $0x90000047  }
0x79: {  	s0 =	sadd.s32 @!p0 $0x100000, s0;
	[bflag:$0x2] =	sbarrier.arrive $0xFFFF  }
0x7a: {  	[sflag:s0] =	ssyncadd.tile.s32 @!p0 $0x1;
	_ =	shalt  }
.Lfunc_end2:
_tile_overlayer_lowered:
.L_overlay_start_2:
0x7b: {  	(tag) =	ssettag $0x2  }
0x7c: {  	s0 =	rddreg [dreg:$0x0];
	s2 =	stileid.u32  }
0x7d: {  	s1 =	rddreg [dreg:$0x1];
	p0 =	sne.s32 s2, $0x0  }
0x7e: {  	s3 =	rddreg [dreg:$0x2];
	[bflag:$0x3] =	sbarrier.arrive $0xFFFF;
	s2 =	simm.s32 @!p0 $0x1C0A  }
0x7f: {  	[timem:s3], [sflag:s2] =	dma.local @!p0 [hbm:s0], s1  }
0x80: {  	s0 =	simm.s32 @!p0 $0xA  }
0x81: {  	_ =	swait.ge @!p0 [sflag:s0], s1  }
0x82: {  	s1 =	ssub.s32 @!p0 $0x0, s1;
	[sflag:s0] =	ssyncset.done @!p0 $0x0  }
0x83: {  	[sflag:s0] =	ssyncadd.s32 @!p0 s1  }
0x84: {  	[bflag:$0x3] =	sbarrier.arrive $0xFFFF  }
0x85: {  	_ =	shalt  }

</sc_bundles>
